<compile_context>
chip_gen: v7x
topology: tpu7x:2x2x1
jax: 0.10.2.dev20260603
libtpu: 0.0.44.dev20260713+nightly
codegen_flags: <defaults>
</compile_context>

<pallas_src>
import functools

import jax
import jax.numpy as jnp
from jax import lax
from jax.experimental import pallas as pl
from jax.experimental.pallas import tpu as pltpu
from jax.experimental.pallas import tpu_sc as plsc

_N = 10000
_E = 320000
_D = 128
_H = 256
_NPAD = 10240
_ZS = _NPAD // 16
_CH = 128
_DUMP = _N
_BLK = 512
_NB = _NPAD // _BLK

@functools.cache
def _sc_kernels():
    mesh = plsc.VectorSubcoreMesh(core_axis_name="c", subcore_axis_name="s",
                                  num_cores=2, num_subcores=16)

    @functools.partial(
        pl.kernel,
        out_type=jax.ShapeDtypeStruct((2, _NPAD, 128), jnp.float32),
        mesh=mesh,
        scratch_types=[
            pltpu.VMEM((_CH,), jnp.int32),
            pltpu.VMEM((_CH,), jnp.int32),
            pltpu.VMEM((_CH, 128), jnp.float32),
            pltpu.VMEM_SHARED((_NPAD, 128), jnp.float32),
            pltpu.SemaphoreType.DMA,
        ],
    )
    def seg_sc(f2, gidx, didx, zrow, out, gbuf, dbuf, rbuf, acc, sem):
        c = lax.axis_index("c")
        s = lax.axis_index("s")
        n_chunks = gidx.shape[2]
        pltpu.sync_copy(zrow.at[pl.ds(s * _ZS, _ZS)], acc.at[pl.ds(s * _ZS, _ZS)])
        plsc.subcore_barrier()

        def body(j, carry):
            pltpu.sync_copy(gidx.at[c, s, j], gbuf)
            pltpu.sync_copy(didx.at[c, s, j], dbuf)
            pltpu.async_copy(f2.at[gbuf], rbuf, sem).wait()
            pltpu.sync_copy(rbuf, acc.at[dbuf], add=True)
            return carry

        lax.fori_loop(0, n_chunks, body, 0)
        plsc.subcore_barrier()
        pltpu.sync_copy(acc.at[pl.ds(s * _ZS, _ZS)], out.at[c, pl.ds(s * _ZS, _ZS)])

    @functools.partial(
        pl.kernel,
        out_type=jax.ShapeDtypeStruct((2, _NPAD, 128), jnp.float32),
        mesh=mesh,
        scratch_types=[
            pltpu.VMEM((_CH,), jnp.int32),
            pltpu.VMEM((_CH, 128), jnp.float32),
            pltpu.VMEM_SHARED((_NPAD, 128), jnp.float32),
        ],
    )
    def deg_sc(didx, zrow16, ones16, out, dbuf, onesbuf, acc):
        c = lax.axis_index("c")
        s = lax.axis_index("s")
        pltpu.sync_copy(zrow16.at[pl.ds(s * _ZS, _ZS)], acc.at[pl.ds(s * _ZS, _ZS)])
        pltpu.sync_copy(ones16, onesbuf)
        plsc.subcore_barrier()

        def body(j, carry):
            pltpu.sync_copy(didx.at[c, s, j], dbuf)
            pltpu.sync_copy(onesbuf, acc.at[dbuf], add=True)
            return carry

        lax.fori_loop(0, didx.shape[2], body, 0)
        plsc.subcore_barrier()
        pltpu.sync_copy(acc.at[pl.ds(s * _ZS, _ZS)], out.at[c, pl.ds(s * _ZS, _ZS)])

    return seg_sc, deg_sc


def _tc1_body(degp, xp, ggc, wih, y, dinv, wc):
    deg = degp[0, :, 0:1] + degp[1, :, 0:1] + 1.0
    dv = lax.rsqrt(deg)
    dinv[...] = jnp.broadcast_to(dv, (_NPAD, 128))
    y[...] = xp[...] * dv
    for i in range(3):
        wc[i, :, :] = lax.dot_general(
            ggc[i, :, :], wih[...], (((1,), (1,)), ((), ())),
            preferred_element_type=jnp.float32)


_tc1 = pl.pallas_call(
    _tc1_body,
    out_shape=[
        jax.ShapeDtypeStruct((_NPAD, 128), jnp.float32),
        jax.ShapeDtypeStruct((_NPAD, 128), jnp.float32),
        jax.ShapeDtypeStruct((3, 256, 768), jnp.float32),
    ],
)


def _leaky(v):
    return jnp.where(v >= 0, v, 0.01 * v)


def _tc2_body(p0, p1, y, dinv, wgcn, bgcn, whh, bhh, h, gh):
    sy = p0[...] + p1[...] + y[...]
    m = jnp.dot(sy, wgcn[...], preferred_element_type=jnp.float32)
    hh = _leaky(dinv[:, 0:1] * m + bgcn[...])
    h[...] = hh
    gh[...] = lax.dot_general(
        hh, whh[...], (((1,), (1,)), ((), ())),
        preferred_element_type=jnp.float32) + bhh[...]


_tc2 = pl.pallas_call(
    _tc2_body,
    grid=(_NB,),
    in_specs=[
        pl.BlockSpec((_BLK, 128), lambda i: (i, 0)),
        pl.BlockSpec((_BLK, 128), lambda i: (i, 0)),
        pl.BlockSpec((_BLK, 128), lambda i: (i, 0)),
        pl.BlockSpec((_BLK, 128), lambda i: (i, 0)),
        pl.BlockSpec((128, 256), lambda i: (0, 0)),
        pl.BlockSpec((1, 256), lambda i: (0, 0)),
        pl.BlockSpec((768, 256), lambda i: (0, 0)),
        pl.BlockSpec((1, 768), lambda i: (0, 0)),
    ],
    out_specs=[
        pl.BlockSpec((_BLK, 256), lambda i: (i, 0)),
        pl.BlockSpec((_BLK, 768), lambda i: (i, 0)),
    ],
    out_shape=[
        jax.ShapeDtypeStruct((_NPAD, 256), jnp.float32),
        jax.ShapeDtypeStruct((_NPAD, 768), jnp.float32),
    ],
)


def _gru_core(s0, s1, gh, xg, wci, bih):
    gi = (jnp.dot(s0[...], wci[0:128, :], preferred_element_type=jnp.float32)
          + jnp.dot(s1[...], wci[128:256, :], preferred_element_type=jnp.float32)
          + bih[...])
    ghv = gh[...]
    r = jax.nn.sigmoid(gi[:, 0:256] + ghv[:, 0:256])
    z = jax.nn.sigmoid(gi[:, 256:512] + ghv[:, 256:512])
    nn_ = jnp.tanh(gi[:, 512:768] + r * ghv[:, 512:768])
    return (1.0 - z) * nn_ + z * xg[...]


def _tc3_mid_body(s0, s1, gh, xg, wci, bih, whh, bhh, xg2, gh2):
    v = _gru_core(s0, s1, gh, xg, wci[...], bih)
    xg2[...] = v
    gh2[...] = lax.dot_general(
        v, whh[...], (((1,), (1,)), ((), ())),
        preferred_element_type=jnp.float32) + bhh[...]


_tc3_mid = pl.pallas_call(
    _tc3_mid_body,
    grid=(_NB,),
    in_specs=[
        pl.BlockSpec((_BLK, 128), lambda i: (i, 0)),
        pl.BlockSpec((_BLK, 128), lambda i: (i, 0)),
        pl.BlockSpec((_BLK, 768), lambda i: (i, 0)),
        pl.BlockSpec((_BLK, 256), lambda i: (i, 0)),
        pl.BlockSpec((256, 768), lambda i: (0, 0)),
        pl.BlockSpec((1, 768), lambda i: (0, 0)),
        pl.BlockSpec((768, 256), lambda i: (0, 0)),
        pl.BlockSpec((1, 768), lambda i: (0, 0)),
    ],
    out_specs=[
        pl.BlockSpec((_BLK, 256), lambda i: (i, 0)),
        pl.BlockSpec((_BLK, 768), lambda i: (i, 0)),
    ],
    out_shape=[
        jax.ShapeDtypeStruct((_NPAD, 256), jnp.float32),
        jax.ShapeDtypeStruct((_NPAD, 768), jnp.float32),
    ],
)


def _tc3_last_body(s0, s1, gh, xg, wci, bih, h, w1, b1, o):
    v = _gru_core(s0, s1, gh, xg, wci[...], bih)
    h2 = _leaky(v) + h[...]
    o[...] = jax.nn.sigmoid(
        jnp.dot(h2, w1[...], preferred_element_type=jnp.float32) + b1[...])


_tc3_last = pl.pallas_call(
    _tc3_last_body,
    grid=(_NB,),
    in_specs=[
        pl.BlockSpec((_BLK, 128), lambda i: (i, 0)),
        pl.BlockSpec((_BLK, 128), lambda i: (i, 0)),
        pl.BlockSpec((_BLK, 768), lambda i: (i, 0)),
        pl.BlockSpec((_BLK, 256), lambda i: (i, 0)),
        pl.BlockSpec((256, 768), lambda i: (0, 0)),
        pl.BlockSpec((1, 768), lambda i: (0, 0)),
        pl.BlockSpec((_BLK, 256), lambda i: (i, 0)),
        pl.BlockSpec((256, 256), lambda i: (0, 0)),
        pl.BlockSpec((1, 256), lambda i: (0, 0)),
    ],
    out_specs=[pl.BlockSpec((_BLK, 256), lambda i: (i, 0))],
    out_shape=[jax.ShapeDtypeStruct((_NPAD, 256), jnp.float32)],
)


def kernel(x, edge_index, W_gcn, b_gcn, ggc_w, W_ih, W_hh, b_ih, b_hh, W1, b1):
    src = edge_index[0].astype(jnp.int32)
    dst = edge_index[1].astype(jnp.int32)
    xp = jnp.pad(x, ((0, _NPAD - _N), (0, 0)))

    pt = _E // 32
    nca = -(-pt // _CH)
    pada = nca * _CH - pt
    src_a = src.reshape(2, 16, pt)
    dst_a = dst.reshape(2, 16, pt)
    gidx_a = jnp.pad(src_a, ((0, 0), (0, 0), (0, pada))).reshape(2, 16, nca, _CH)
    didx_a = jnp.pad(dst_a, ((0, 0), (0, 0), (0, pada)),
                     constant_values=_DUMP).reshape(2, 16, nca, _CH)

    ptb = _E // 16
    ncb = -(-ptb // _CH)
    padb = ncb * _CH - ptb
    s16 = src.reshape(16, ptb)
    d16 = dst.reshape(16, ptb)
    g2 = jnp.stack([2 * s16, 2 * s16 + 1])
    gidx_b = jnp.pad(g2, ((0, 0), (0, 0), (0, padb))).reshape(2, 16, ncb, _CH)
    didx_b = jnp.pad(jnp.stack([d16, d16]), ((0, 0), (0, 0), (0, padb)),
                     constant_values=_DUMP).reshape(2, 16, ncb, _CH)

    zrow = jnp.zeros((_NPAD, 128), jnp.float32)
    ones128 = jnp.ones((_CH, 128), jnp.float32)

    _seg_sc, _deg_sc = _sc_kernels()
    degp = _deg_sc(didx_a, zrow, ones128)
    y, dinv, wc = _tc1(degp, xp, ggc_w, W_ih)

    p = _seg_sc(y, gidx_a, didx_a, zrow)
    h, gh = _tc2(p[0], p[1], y, dinv, W_gcn, b_gcn.reshape(1, -1),
                 W_hh, b_hh.reshape(1, -1))

    xg = h
    for i in range(3):
        s = _seg_sc(xg.reshape(2 * _NPAD, 128), gidx_b, didx_b, zrow)
        if i < 2:
            xg, gh = _tc3_mid(s[0], s[1], gh, xg, wc[i], b_ih.reshape(1, -1),
                              W_hh, b_hh.reshape(1, -1))
        else:
            (out,) = _tc3_last(s[0], s[1], gh, xg, wc[i], b_ih.reshape(1, -1),
                               h, W1, b1.reshape(1, -1))
    return out[:_N]

# --- scband reference (transcript-rebuilt; emitter-appended) ---
"""Pipeline reference for scband-nonnegative-net-1640677507204 (READ-ONLY COPY).

The authoritative reference and input builder live on the scoring server;
editing this copy changes nothing except your own understanding.
"""

import jax, jax.numpy as jnp
import numpy as np

N = 10000
E = 320000
D = 128
H = 256
L = 3

def setup_inputs(seed: int = 0) -> dict:
    key = jax.random.key(seed)
    ks = jax.random.split(key, 12)
    x = jax.random.normal(ks[0], (N, D), dtype=jnp.float32)
    edge_index = jax.random.randint(ks[1], (2, E), 0, N, dtype=jnp.int64)
    s = 0.05
    W_gcn = jax.random.normal(ks[2], (D, H), dtype=jnp.float32) * s
    b_gcn = jnp.zeros((H,), dtype=jnp.float32)
    ggc_w = jax.random.normal(ks[3], (L, H, H), dtype=jnp.float32) * s
    W_ih = jax.random.normal(ks[4], (3 * H, H), dtype=jnp.float32) * s
    W_hh = jax.random.normal(ks[5], (3 * H, H), dtype=jnp.float32) * s
    b_ih = jnp.zeros((3 * H,), dtype=jnp.float32)
    b_hh = jnp.zeros((3 * H,), dtype=jnp.float32)
    W1 = jax.random.normal(ks[6], (H, H), dtype=jnp.float32) * s
    b1 = jnp.zeros((H,), dtype=jnp.float32)
    return {"x": x, "edge_index": edge_index, "W_gcn": W_gcn, "b_gcn": b_gcn,
            "ggc_w": ggc_w, "W_ih": W_ih, "W_hh": W_hh, "b_ih": b_ih, "b_hh": b_hh,
            "W1": W1, "b1": b1}

def _leaky_relu(v):
    return jnp.where(v >= 0, v, 0.01 * v)

def reference(x, edge_index, W_gcn, b_gcn, ggc_w, W_ih, W_hh, b_ih, b_hh, W1, b1):
    src = edge_index[0]
    dst = edge_index[1]
    n = x.shape[0]
    # GCNConv with added self loops and symmetric normalization
    loop = jnp.arange(n, dtype=src.dtype)
    src2 = jnp.concatenate([src, loop])
    dst2 = jnp.concatenate([dst, loop])
    xw = x @ W_gcn
    deg = jax.ops.segment_sum(jnp.ones_like(src2, dtype=jnp.float32), dst2, num_segments=n)
    dinv = jnp.where(deg > 0, 1.0 / jnp.sqrt(deg), 0.0)
    norm = dinv[src2] * dinv[dst2]
    msg = xw[src2] * norm[:, None]
    gcn_out = jax.ops.segment_sum(msg, dst2, num_segments=n) + b_gcn
    h = _leaky_relu(gcn_out)
    # GatedGraphConv: L rounds of (linear message, sum-aggregate, GRUCell)
    x_g = h
    for i in range(L):
        m = x_g @ ggc_w[i]
        agg = jax.ops.segment_sum(m[src], dst, num_segments=n)
        gi = agg @ W_ih.T + b_ih
        gh = x_g @ W_hh.T + b_hh
        r = jax.nn.sigmoid(gi[:, :H] + gh[:, :H])
        z = jax.nn.sigmoid(gi[:, H:2 * H] + gh[:, H:2 * H])
        nn_ = jnp.tanh(gi[:, 2 * H:] + r * gh[:, 2 * H:])
        x_g = (1.0 - z) * nn_ + z * x_g
    h2 = _leaky_relu(x_g) + h
    out = jax.nn.sigmoid(h2 @ W1 + b1)
    return out

if __name__ == "__main__":
    import jax
    _d = setup_inputs()
    print(jax.jit(kernel)(*tuple(_d.values())))

</pallas_src>

<mosaic_0001>
#map = affine_map<(d0, d1) -> (0, 0)>
#map1 = affine_map<(d0, d1) -> (0, 0, 0, 0)>
#map2 = affine_map<(d0, d1) -> (0, 0, 0)>
module attributes {stable_mosaic.version = 14 : i64} {
  func.func @seg_sc(%arg0: i32, %arg1: i32, %arg2: memref<20480x128xf32, #tpu.memory_space<hbm>>, %arg3: memref<2x16x157x128xi32, #tpu.memory_space<hbm>>, %arg4: memref<2x16x157x128xi32, #tpu.memory_space<hbm>>, %arg5: memref<10240x128xf32, #tpu.memory_space<hbm>>, %arg6: memref<2x10240x128xf32, #tpu.memory_space<hbm>>, %arg7: memref<128xi32, #tpu.memory_space<vmem>>, %arg8: memref<128xi32, #tpu.memory_space<vmem>>, %arg9: memref<128x128xf32, #tpu.memory_space<vmem>>, %arg10: memref<10240x128xf32, #tpu.memory_space<vmem_shared>>, %arg11: memref<!tpu.dma_semaphore, #tpu.memory_space<semaphore_mem>>) attributes {dimension_semantics = [#tpu.dimension_semantics<core_parallel>, #tpu.dimension_semantics<subcore_parallel>], iteration_bounds = array<i64: 2, 16>, scalar_prefetch = 0 : i64, scratch_operands = 5 : i64, tpu.core_type = #tpu.core_type<sc_vector_subcore>, window_params = [{transform_indices = #map}, {transform_indices = #map1}, {transform_indices = #map1}, {transform_indices = #map}, {transform_indices = #map2}]} {
    %mul3A = arith.constant 640 : i32
    %mul3A_0 = arith.muli %arg1, %mul3A : i32
    %mul3A_1 = arith.constant 640 : i32
    %mul3A_2 = arith.muli %arg1, %mul3A_1 : i32
    "tpu.region"() ({
      %run_scoped3A = tpu.sem_alloc : memref<!tpu.dma_semaphore, #tpu.memory_space<semaphore_mem>>
      %dma_start3A = arith.constant 0 : i32
      %dma_start3A_13 = tpu.memref_slice %arg10[%mul3A_2, %dma_start3A] : memref<10240x128xf32, #tpu.memory_space<vmem_shared>> -> memref<640x128xf32, #tpu.memory_space<vmem_shared>>
      %dma_start3A_14 = arith.constant 0 : i32
      %dma_start3A_15 = tpu.memref_slice %arg5[%mul3A_0, %dma_start3A_14] : memref<10240x128xf32, #tpu.memory_space<hbm>> -> memref<640x128xf32, #tpu.memory_space<hbm>>
      tpu.enqueue_dma source(%dma_start3A_15 : memref<640x128xf32, #tpu.memory_space<hbm>>) target(%dma_start3A_13 : memref<640x128xf32, #tpu.memory_space<vmem_shared>>) target_semaphore(%run_scoped3A : memref<!tpu.dma_semaphore, #tpu.memory_space<semaphore_mem>>)
      %dma_wait3A = arith.constant 0 : i32
      %dma_wait3A_16 = tpu.memref_slice %arg10[%mul3A_2, %dma_wait3A] : memref<10240x128xf32, #tpu.memory_space<vmem_shared>> -> memref<640x128xf32, #tpu.memory_space<vmem_shared>>
      %dma_wait3A_17 = arith.constant 0 : i32
      %dma_wait3A_18 = tpu.memref_slice %arg5[%mul3A_0, %dma_wait3A_17] : memref<10240x128xf32, #tpu.memory_space<hbm>> -> memref<640x128xf32, #tpu.memory_space<hbm>>
      tpu.wait_dma2 semaphore(%run_scoped3A : memref<!tpu.dma_semaphore, #tpu.memory_space<semaphore_mem>>) src(%dma_wait3A_18 : memref<640x128xf32, #tpu.memory_space<hbm>>) dst(%dma_wait3A_16 : memref<640x128xf32, #tpu.memory_space<vmem_shared>>)
      tpu.yield
    }) : () -> ()
    %barrier3A = arith.constant 0 : index
    tpu.barrier barrier_id(%barrier3A)
    %scan3A = arith.constant 0 : i32
    %scan3A_3 = arith.constant 0 : i32
    %scan3A_4 = arith.constant 157 : i32
    %scan3A_5 = arith.addi %scan3A_3, %scan3A_4 : i32
    %scan3A_6 = arith.constant 1 : i32
    scf.for %scan3A_13 = %scan3A_3 to %scan3A_5 step %scan3A_6  : i32 {
      "tpu.region"() ({
        %run_scoped3A = tpu.sem_alloc : memref<!tpu.dma_semaphore, #tpu.memory_space<semaphore_mem>>
        %dma_start3A_18 = arith.constant 0 : i32
        %dma_start3A_19 = tpu.memref_slice %arg3[%arg0, %arg1, %scan3A_13, %dma_start3A_18] : memref<2x16x157x128xi32, #tpu.memory_space<hbm>> -> memref<1x1x1x128xi32, #tpu.memory_space<hbm>>
        %dma_start3A_20 = tpu.memref_squeeze %dma_start3A_19 : memref<1x1x1x128xi32, #tpu.memory_space<hbm>> -> memref<128xi32, #tpu.memory_space<hbm>>
        %dma_start3A_21 = arith.constant 0 : i32
        %dma_start3A_22 = tpu.memref_slice %arg3[%arg0, %arg1, %scan3A_13, %dma_start3A_21] : memref<2x16x157x128xi32, #tpu.memory_space<hbm>> -> memref<1x1x1x128xi32, #tpu.memory_space<hbm>>
        %dma_start3A_23 = tpu.memref_squeeze %dma_start3A_22 : memref<1x1x1x128xi32, #tpu.memory_space<hbm>> -> memref<128xi32, #tpu.memory_space<hbm>>
        tpu.enqueue_dma source(%dma_start3A_23 : memref<128xi32, #tpu.memory_space<hbm>>) target(%arg7 : memref<128xi32, #tpu.memory_space<vmem>>) target_semaphore(%run_scoped3A : memref<!tpu.dma_semaphore, #tpu.memory_space<semaphore_mem>>)
        %dma_wait3A_24 = arith.constant 0 : i32
        %dma_wait3A_25 = tpu.memref_slice %arg3[%arg0, %arg1, %scan3A_13, %dma_wait3A_24] : memref<2x16x157x128xi32, #tpu.memory_space<hbm>> -> memref<1x1x1x128xi32, #tpu.memory_space<hbm>>
        %dma_wait3A_26 = tpu.memref_squeeze %dma_wait3A_25 : memref<1x1x1x128xi32, #tpu.memory_space<hbm>> -> memref<128xi32, #tpu.memory_space<hbm>>
        %dma_wait3A_27 = arith.constant 0 : i32
        %dma_wait3A_28 = tpu.memref_slice %arg3[%arg0, %arg1, %scan3A_13, %dma_wait3A_27] : memref<2x16x157x128xi32, #tpu.memory_space<hbm>> -> memref<1x1x1x128xi32, #tpu.memory_space<hbm>>
        %dma_wait3A_29 = tpu.memref_squeeze %dma_wait3A_28 : memref<1x1x1x128xi32, #tpu.memory_space<hbm>> -> memref<128xi32, #tpu.memory_space<hbm>>
        tpu.wait_dma2 semaphore(%run_scoped3A : memref<!tpu.dma_semaphore, #tpu.memory_space<semaphore_mem>>) src(%dma_wait3A_29 : memref<128xi32, #tpu.memory_space<hbm>>) dst(%arg7 : memref<128xi32, #tpu.memory_space<vmem>>)
        tpu.yield
      }) : () -> ()
      "tpu.region"() ({
        %run_scoped3A = tpu.sem_alloc : memref<!tpu.dma_semaphore, #tpu.memory_space<semaphore_mem>>
        %dma_start3A_18 = arith.constant 0 : i32
        %dma_start3A_19 = tpu.memref_slice %arg4[%arg0, %arg1, %scan3A_13, %dma_start3A_18] : memref<2x16x157x128xi32, #tpu.memory_space<hbm>> -> memref<1x1x1x128xi32, #tpu.memory_space<hbm>>
        %dma_start3A_20 = tpu.memref_squeeze %dma_start3A_19 : memref<1x1x1x128xi32, #tpu.memory_space<hbm>> -> memref<128xi32, #tpu.memory_space<hbm>>
        %dma_start3A_21 = arith.constant 0 : i32
        %dma_start3A_22 = tpu.memref_slice %arg4[%arg0, %arg1, %scan3A_13, %dma_start3A_21] : memref<2x16x157x128xi32, #tpu.memory_space<hbm>> -> memref<1x1x1x128xi32, #tpu.memory_space<hbm>>
        %dma_start3A_23 = tpu.memref_squeeze %dma_start3A_22 : memref<1x1x1x128xi32, #tpu.memory_space<hbm>> -> memref<128xi32, #tpu.memory_space<hbm>>
        tpu.enqueue_dma source(%dma_start3A_23 : memref<128xi32, #tpu.memory_space<hbm>>) target(%arg8 : memref<128xi32, #tpu.memory_space<vmem>>) target_semaphore(%run_scoped3A : memref<!tpu.dma_semaphore, #tpu.memory_space<semaphore_mem>>)
        %dma_wait3A_24 = arith.constant 0 : i32
        %dma_wait3A_25 = tpu.memref_slice %arg4[%arg0, %arg1, %scan3A_13, %dma_wait3A_24] : memref<2x16x157x128xi32, #tpu.memory_space<hbm>> -> memref<1x1x1x128xi32, #tpu.memory_space<hbm>>
        %dma_wait3A_26 = tpu.memref_squeeze %dma_wait3A_25 : memref<1x1x1x128xi32, #tpu.memory_space<hbm>> -> memref<128xi32, #tpu.memory_space<hbm>>
        %dma_wait3A_27 = arith.constant 0 : i32
        %dma_wait3A_28 = tpu.memref_slice %arg4[%arg0, %arg1, %scan3A_13, %dma_wait3A_27] : memref<2x16x157x128xi32, #tpu.memory_space<hbm>> -> memref<1x1x1x128xi32, #tpu.memory_space<hbm>>
        %dma_wait3A_29 = tpu.memref_squeeze %dma_wait3A_28 : memref<1x1x1x128xi32, #tpu.memory_space<hbm>> -> memref<128xi32, #tpu.memory_space<hbm>>
        tpu.wait_dma2 semaphore(%run_scoped3A : memref<!tpu.dma_semaphore, #tpu.memory_space<semaphore_mem>>) src(%dma_wait3A_29 : memref<128xi32, #tpu.memory_space<hbm>>) dst(%arg8 : memref<128xi32, #tpu.memory_space<vmem>>)
        tpu.yield
      }) : () -> ()
      %dma_start3A = arith.constant 0 : i32
      %dma_start3A_14 = arith.constant 0 : i32
      %dma_start3A_15 = tpu.memref_slice %arg2[%dma_start3A, %dma_start3A_14] : memref<20480x128xf32, #tpu.memory_space<hbm>> -> memref<20480x128xf32, #tpu.memory_space<hbm>>
      tpu.enqueue_indirect_dma source(%dma_start3A_15 : memref<20480x128xf32, #tpu.memory_space<hbm>>) target(%arg9 : memref<128x128xf32, #tpu.memory_space<vmem>>) offsets(%arg7 : memref<128xi32, #tpu.memory_space<vmem>>) semaphore(%arg11 : memref<!tpu.dma_semaphore, #tpu.memory_space<semaphore_mem>>)
      %dma_wait3A = arith.constant 0 : i32
      %dma_wait3A_16 = arith.constant 0 : i32
      %dma_wait3A_17 = tpu.memref_slice %arg2[%dma_wait3A, %dma_wait3A_16] : memref<20480x128xf32, #tpu.memory_space<hbm>> -> memref<20480x128xf32, #tpu.memory_space<hbm>>
      tpu.wait_indirect_dma semaphore(%arg11 : memref<!tpu.dma_semaphore, #tpu.memory_space<semaphore_mem>>) src(%dma_wait3A_17 : memref<20480x128xf32, #tpu.memory_space<hbm>>) dst(%arg9 : memref<128x128xf32, #tpu.memory_space<vmem>>)
      "tpu.region"() ({
        %run_scoped3A = tpu.sem_alloc : memref<!tpu.dma_semaphore, #tpu.memory_space<semaphore_mem>>
        %dma_start3A_18 = arith.constant 0 : i32
        %dma_start3A_19 = arith.constant 0 : i32
        %dma_start3A_20 = tpu.memref_slice %arg10[%dma_start3A_18, %dma_start3A_19] : memref<10240x128xf32, #tpu.memory_space<vmem_shared>> -> memref<10240x128xf32, #tpu.memory_space<vmem_shared>>
        tpu.enqueue_indirect_dma source(%arg9 : memref<128x128xf32, #tpu.memory_space<vmem>>) target(%dma_start3A_20 : memref<10240x128xf32, #tpu.memory_space<vmem_shared>>) offsets(%arg8 : memref<128xi32, #tpu.memory_space<vmem>>) semaphore(%run_scoped3A : memref<!tpu.dma_semaphore, #tpu.memory_space<semaphore_mem>>) {add = true}
        %dma_wait3A_21 = arith.constant 0 : i32
        %dma_wait3A_22 = arith.constant 0 : i32
        %dma_wait3A_23 = tpu.memref_slice %arg10[%dma_wait3A_21, %dma_wait3A_22] : memref<10240x128xf32, #tpu.memory_space<vmem_shared>> -> memref<10240x128xf32, #tpu.memory_space<vmem_shared>>
        tpu.wait_indirect_dma semaphore(%run_scoped3A : memref<!tpu.dma_semaphore, #tpu.memory_space<semaphore_mem>>) src(%arg9 : memref<128x128xf32, #tpu.memory_space<vmem>>) dst(%dma_wait3A_23 : memref<10240x128xf32, #tpu.memory_space<vmem_shared>>)
        tpu.yield
      }) : () -> ()
    }
    %scan3A_7 = arith.constant 157 : i32
    %barrier3A_8 = arith.constant 0 : index
    tpu.barrier barrier_id(%barrier3A_8)
    %mul3A_9 = arith.constant 640 : i32
    %mul3A_10 = arith.muli %arg1, %mul3A_9 : i32
    %mul3A_11 = arith.constant 640 : i32
    %mul3A_12 = arith.muli %arg1, %mul3A_11 : i32
    "tpu.region"() ({
      %run_scoped3A = tpu.sem_alloc : memref<!tpu.dma_semaphore, #tpu.memory_space<semaphore_mem>>
      %dma_start3A = arith.constant 0 : i32
      %dma_start3A_13 = tpu.memref_slice %arg6[%arg0, %mul3A_12, %dma_start3A] : memref<2x10240x128xf32, #tpu.memory_space<hbm>> -> memref<1x640x128xf32, #tpu.memory_space<hbm>>
      %dma_start3A_14 = tpu.memref_squeeze %dma_start3A_13 : memref<1x640x128xf32, #tpu.memory_space<hbm>> -> memref<640x128xf32, #tpu.memory_space<hbm>>
      %dma_start3A_15 = arith.constant 0 : i32
      %dma_start3A_16 = tpu.memref_slice %arg10[%mul3A_10, %dma_start3A_15] : memref<10240x128xf32, #tpu.memory_space<vmem_shared>> -> memref<640x128xf32, #tpu.memory_space<vmem_shared>>
      tpu.enqueue_dma source(%dma_start3A_16 : memref<640x128xf32, #tpu.memory_space<vmem_shared>>) target(%dma_start3A_14 : memref<640x128xf32, #tpu.memory_space<hbm>>) target_semaphore(%run_scoped3A : memref<!tpu.dma_semaphore, #tpu.memory_space<semaphore_mem>>)
      %dma_wait3A = arith.constant 0 : i32
      %dma_wait3A_17 = tpu.memref_slice %arg6[%arg0, %mul3A_12, %dma_wait3A] : memref<2x10240x128xf32, #tpu.memory_space<hbm>> -> memref<1x640x128xf32, #tpu.memory_space<hbm>>
      %dma_wait3A_18 = tpu.memref_squeeze %dma_wait3A_17 : memref<1x640x128xf32, #tpu.memory_space<hbm>> -> memref<640x128xf32, #tpu.memory_space<hbm>>
      %dma_wait3A_19 = arith.constant 0 : i32
      %dma_wait3A_20 = tpu.memref_slice %arg10[%mul3A_10, %dma_wait3A_19] : memref<10240x128xf32, #tpu.memory_space<vmem_shared>> -> memref<640x128xf32, #tpu.memory_space<vmem_shared>>
      tpu.wait_dma2 semaphore(%run_scoped3A : memref<!tpu.dma_semaphore, #tpu.memory_space<semaphore_mem>>) src(%dma_wait3A_20 : memref<640x128xf32, #tpu.memory_space<vmem_shared>>) dst(%dma_wait3A_18 : memref<640x128xf32, #tpu.memory_space<hbm>>)
      tpu.yield
    }) : () -> ()
    return
  }
}

#map = affine_map<(d0, d1) -> (0, 0, 0, 0)>
#map1 = affine_map<(d0, d1) -> (0, 0)>
#map2 = affine_map<(d0, d1) -> (0, 0, 0)>
module attributes {stable_mosaic.version = 14 : i64} {
  func.func @deg_sc(%arg0: i32, %arg1: i32, %arg2: memref<2x16x79x128xi32, #tpu.memory_space<hbm>>, %arg3: memref<10240x128xf32, #tpu.memory_space<hbm>>, %arg4: memref<128x128xf32, #tpu.memory_space<hbm>>, %arg5: memref<2x10240x128xf32, #tpu.memory_space<hbm>>, %arg6: memref<128xi32, #tpu.memory_space<vmem>>, %arg7: memref<128x128xf32, #tpu.memory_space<vmem>>, %arg8: memref<10240x128xf32, #tpu.memory_space<vmem_shared>>) attributes {dimension_semantics = [#tpu.dimension_semantics<core_parallel>, #tpu.dimension_semantics<subcore_parallel>], iteration_bounds = array<i64: 2, 16>, scalar_prefetch = 0 : i64, scratch_operands = 3 : i64, tpu.core_type = #tpu.core_type<sc_vector_subcore>, window_params = [{transform_indices = #map}, {transform_indices = #map1}, {transform_indices = #map1}, {transform_indices = #map2}]} {
    %mul3A = arith.constant 640 : i32
    %mul3A_0 = arith.muli %arg1, %mul3A : i32
    %mul3A_1 = arith.constant 640 : i32
    %mul3A_2 = arith.muli %arg1, %mul3A_1 : i32
    "tpu.region"() ({
      %run_scoped3A = tpu.sem_alloc : memref<!tpu.dma_semaphore, #tpu.memory_space<semaphore_mem>>
      %dma_start3A = arith.constant 0 : i32
      %dma_start3A_13 = tpu.memref_slice %arg8[%mul3A_2, %dma_start3A] : memref<10240x128xf32, #tpu.memory_space<vmem_shared>> -> memref<640x128xf32, #tpu.memory_space<vmem_shared>>
      %dma_start3A_14 = arith.constant 0 : i32
      %dma_start3A_15 = tpu.memref_slice %arg3[%mul3A_0, %dma_start3A_14] : memref<10240x128xf32, #tpu.memory_space<hbm>> -> memref<640x128xf32, #tpu.memory_space<hbm>>
      tpu.enqueue_dma source(%dma_start3A_15 : memref<640x128xf32, #tpu.memory_space<hbm>>) target(%dma_start3A_13 : memref<640x128xf32, #tpu.memory_space<vmem_shared>>) target_semaphore(%run_scoped3A : memref<!tpu.dma_semaphore, #tpu.memory_space<semaphore_mem>>)
      %dma_wait3A = arith.constant 0 : i32
      %dma_wait3A_16 = tpu.memref_slice %arg8[%mul3A_2, %dma_wait3A] : memref<10240x128xf32, #tpu.memory_space<vmem_shared>> -> memref<640x128xf32, #tpu.memory_space<vmem_shared>>
      %dma_wait3A_17 = arith.constant 0 : i32
      %dma_wait3A_18 = tpu.memref_slice %arg3[%mul3A_0, %dma_wait3A_17] : memref<10240x128xf32, #tpu.memory_space<hbm>> -> memref<640x128xf32, #tpu.memory_space<hbm>>
      tpu.wait_dma2 semaphore(%run_scoped3A : memref<!tpu.dma_semaphore, #tpu.memory_space<semaphore_mem>>) src(%dma_wait3A_18 : memref<640x128xf32, #tpu.memory_space<hbm>>) dst(%dma_wait3A_16 : memref<640x128xf32, #tpu.memory_space<vmem_shared>>)
      tpu.yield
    }) : () -> ()
    "tpu.region"() ({
      %run_scoped3A = tpu.sem_alloc : memref<!tpu.dma_semaphore, #tpu.memory_space<semaphore_mem>>
      tpu.enqueue_dma source(%arg4 : memref<128x128xf32, #tpu.memory_space<hbm>>) target(%arg7 : memref<128x128xf32, #tpu.memory_space<vmem>>) target_semaphore(%run_scoped3A : memref<!tpu.dma_semaphore, #tpu.memory_space<semaphore_mem>>)
      tpu.wait_dma2 semaphore(%run_scoped3A : memref<!tpu.dma_semaphore, #tpu.memory_space<semaphore_mem>>) src(%arg4 : memref<128x128xf32, #tpu.memory_space<hbm>>) dst(%arg7 : memref<128x128xf32, #tpu.memory_space<vmem>>)
      tpu.yield
    }) : () -> ()
    %barrier3A = arith.constant 0 : index
    tpu.barrier barrier_id(%barrier3A)
    %scan3A = arith.constant 0 : i32
    %scan3A_3 = arith.constant 0 : i32
    %scan3A_4 = arith.constant 79 : i32
    %scan3A_5 = arith.addi %scan3A_3, %scan3A_4 : i32
    %scan3A_6 = arith.constant 1 : i32
    scf.for %scan3A_13 = %scan3A_3 to %scan3A_5 step %scan3A_6  : i32 {
      "tpu.region"() ({
        %run_scoped3A = tpu.sem_alloc : memref<!tpu.dma_semaphore, #tpu.memory_space<semaphore_mem>>
        %dma_start3A = arith.constant 0 : i32
        %dma_start3A_14 = tpu.memref_slice %arg2[%arg0, %arg1, %scan3A_13, %dma_start3A] : memref<2x16x79x128xi32, #tpu.memory_space<hbm>> -> memref<1x1x1x128xi32, #tpu.memory_space<hbm>>
        %dma_start3A_15 = tpu.memref_squeeze %dma_start3A_14 : memref<1x1x1x128xi32, #tpu.memory_space<hbm>> -> memref<128xi32, #tpu.memory_space<hbm>>
        %dma_start3A_16 = arith.constant 0 : i32
        %dma_start3A_17 = tpu.memref_slice %arg2[%arg0, %arg1, %scan3A_13, %dma_start3A_16] : memref<2x16x79x128xi32, #tpu.memory_space<hbm>> -> memref<1x1x1x128xi32, #tpu.memory_space<hbm>>
        %dma_start3A_18 = tpu.memref_squeeze %dma_start3A_17 : memref<1x1x1x128xi32, #tpu.memory_space<hbm>> -> memref<128xi32, #tpu.memory_space<hbm>>
        tpu.enqueue_dma source(%dma_start3A_18 : memref<128xi32, #tpu.memory_space<hbm>>) target(%arg6 : memref<128xi32, #tpu.memory_space<vmem>>) target_semaphore(%run_scoped3A : memref<!tpu.dma_semaphore, #tpu.memory_space<semaphore_mem>>)
        %dma_wait3A = arith.constant 0 : i32
        %dma_wait3A_19 = tpu.memref_slice %arg2[%arg0, %arg1, %scan3A_13, %dma_wait3A] : memref<2x16x79x128xi32, #tpu.memory_space<hbm>> -> memref<1x1x1x128xi32, #tpu.memory_space<hbm>>
        %dma_wait3A_20 = tpu.memref_squeeze %dma_wait3A_19 : memref<1x1x1x128xi32, #tpu.memory_space<hbm>> -> memref<128xi32, #tpu.memory_space<hbm>>
        %dma_wait3A_21 = arith.constant 0 : i32
        %dma_wait3A_22 = tpu.memref_slice %arg2[%arg0, %arg1, %scan3A_13, %dma_wait3A_21] : memref<2x16x79x128xi32, #tpu.memory_space<hbm>> -> memref<1x1x1x128xi32, #tpu.memory_space<hbm>>
        %dma_wait3A_23 = tpu.memref_squeeze %dma_wait3A_22 : memref<1x1x1x128xi32, #tpu.memory_space<hbm>> -> memref<128xi32, #tpu.memory_space<hbm>>
        tpu.wait_dma2 semaphore(%run_scoped3A : memref<!tpu.dma_semaphore, #tpu.memory_space<semaphore_mem>>) src(%dma_wait3A_23 : memref<128xi32, #tpu.memory_space<hbm>>) dst(%arg6 : memref<128xi32, #tpu.memory_space<vmem>>)
        tpu.yield
      }) : () -> ()
      "tpu.region"() ({
        %run_scoped3A = tpu.sem_alloc : memref<!tpu.dma_semaphore, #tpu.memory_space<semaphore_mem>>
        %dma_start3A = arith.constant 0 : i32
        %dma_start3A_14 = arith.constant 0 : i32
        %dma_start3A_15 = tpu.memref_slice %arg8[%dma_start3A, %dma_start3A_14] : memref<10240x128xf32, #tpu.memory_space<vmem_shared>> -> memref<10240x128xf32, #tpu.memory_space<vmem_shared>>
        tpu.enqueue_indirect_dma source(%arg7 : memref<128x128xf32, #tpu.memory_space<vmem>>) target(%dma_start3A_15 : memref<10240x128xf32, #tpu.memory_space<vmem_shared>>) offsets(%arg6 : memref<128xi32, #tpu.memory_space<vmem>>) semaphore(%run_scoped3A : memref<!tpu.dma_semaphore, #tpu.memory_space<semaphore_mem>>) {add = true}
        %dma_wait3A = arith.constant 0 : i32
        %dma_wait3A_16 = arith.constant 0 : i32
        %dma_wait3A_17 = tpu.memref_slice %arg8[%dma_wait3A, %dma_wait3A_16] : memref<10240x128xf32, #tpu.memory_space<vmem_shared>> -> memref<10240x128xf32, #tpu.memory_space<vmem_shared>>
        tpu.wait_indirect_dma semaphore(%run_scoped3A : memref<!tpu.dma_semaphore, #tpu.memory_space<semaphore_mem>>) src(%arg7 : memref<128x128xf32, #tpu.memory_space<vmem>>) dst(%dma_wait3A_17 : memref<10240x128xf32, #tpu.memory_space<vmem_shared>>)
        tpu.yield
      }) : () -> ()
    }
    %scan3A_7 = arith.constant 79 : i32
    %barrier3A_8 = arith.constant 0 : index
    tpu.barrier barrier_id(%barrier3A_8)
    %mul3A_9 = arith.constant 640 : i32
    %mul3A_10 = arith.muli %arg1, %mul3A_9 : i32
    %mul3A_11 = arith.constant 640 : i32
    %mul3A_12 = arith.muli %arg1, %mul3A_11 : i32
    "tpu.region"() ({
      %run_scoped3A = tpu.sem_alloc : memref<!tpu.dma_semaphore, #tpu.memory_space<semaphore_mem>>
      %dma_start3A = arith.constant 0 : i32
      %dma_start3A_13 = tpu.memref_slice %arg5[%arg0, %mul3A_12, %dma_start3A] : memref<2x10240x128xf32, #tpu.memory_space<hbm>> -> memref<1x640x128xf32, #tpu.memory_space<hbm>>
      %dma_start3A_14 = tpu.memref_squeeze %dma_start3A_13 : memref<1x640x128xf32, #tpu.memory_space<hbm>> -> memref<640x128xf32, #tpu.memory_space<hbm>>
      %dma_start3A_15 = arith.constant 0 : i32
      %dma_start3A_16 = tpu.memref_slice %arg8[%mul3A_10, %dma_start3A_15] : memref<10240x128xf32, #tpu.memory_space<vmem_shared>> -> memref<640x128xf32, #tpu.memory_space<vmem_shared>>
      tpu.enqueue_dma source(%dma_start3A_16 : memref<640x128xf32, #tpu.memory_space<vmem_shared>>) target(%dma_start3A_14 : memref<640x128xf32, #tpu.memory_space<hbm>>) target_semaphore(%run_scoped3A : memref<!tpu.dma_semaphore, #tpu.memory_space<semaphore_mem>>)
      %dma_wait3A = arith.constant 0 : i32
      %dma_wait3A_17 = tpu.memref_slice %arg5[%arg0, %mul3A_12, %dma_wait3A] : memref<2x10240x128xf32, #tpu.memory_space<hbm>> -> memref<1x640x128xf32, #tpu.memory_space<hbm>>
      %dma_wait3A_18 = tpu.memref_squeeze %dma_wait3A_17 : memref<1x640x128xf32, #tpu.memory_space<hbm>> -> memref<640x128xf32, #tpu.memory_space<hbm>>
      %dma_wait3A_19 = arith.constant 0 : i32
      %dma_wait3A_20 = tpu.memref_slice %arg8[%mul3A_10, %dma_wait3A_19] : memref<10240x128xf32, #tpu.memory_space<vmem_shared>> -> memref<640x128xf32, #tpu.memory_space<vmem_shared>>
      tpu.wait_dma2 semaphore(%run_scoped3A : memref<!tpu.dma_semaphore, #tpu.memory_space<semaphore_mem>>) src(%dma_wait3A_20 : memref<640x128xf32, #tpu.memory_space<vmem_shared>>) dst(%dma_wait3A_18 : memref<640x128xf32, #tpu.memory_space<hbm>>)
      tpu.yield
    }) : () -> ()
    return
  }
}

#map = affine_map<(d0, d1) -> (0, 0)>
#map1 = affine_map<(d0, d1) -> (0, 0, 0, 0)>
#map2 = affine_map<(d0, d1) -> (0, 0, 0)>
module attributes {stable_mosaic.version = 14 : i64} {
  func.func @seg_sc(%arg0: i32, %arg1: i32, %arg2: memref<10240x128xf32, #tpu.memory_space<hbm>>, %arg3: memref<2x16x79x128xi32, #tpu.memory_space<hbm>>, %arg4: memref<2x16x79x128xi32, #tpu.memory_space<hbm>>, %arg5: memref<10240x128xf32, #tpu.memory_space<hbm>>, %arg6: memref<2x10240x128xf32, #tpu.memory_space<hbm>>, %arg7: memref<128xi32, #tpu.memory_space<vmem>>, %arg8: memref<128xi32, #tpu.memory_space<vmem>>, %arg9: memref<128x128xf32, #tpu.memory_space<vmem>>, %arg10: memref<10240x128xf32, #tpu.memory_space<vmem_shared>>, %arg11: memref<!tpu.dma_semaphore, #tpu.memory_space<semaphore_mem>>) attributes {dimension_semantics = [#tpu.dimension_semantics<core_parallel>, #tpu.dimension_semantics<subcore_parallel>], iteration_bounds = array<i64: 2, 16>, scalar_prefetch = 0 : i64, scratch_operands = 5 : i64, tpu.core_type = #tpu.core_type<sc_vector_subcore>, window_params = [{transform_indices = #map}, {transform_indices = #map1}, {transform_indices = #map1}, {transform_indices = #map}, {transform_indices = #map2}]} {
    %mul3A = arith.constant 640 : i32
    %mul3A_0 = arith.muli %arg1, %mul3A : i32
    %mul3A_1 = arith.constant 640 : i32
    %mul3A_2 = arith.muli %arg1, %mul3A_1 : i32
    "tpu.region"() ({
      %run_scoped3A = tpu.sem_alloc : memref<!tpu.dma_semaphore, #tpu.memory_space<semaphore_mem>>
      %dma_start3A = arith.constant 0 : i32
      %dma_start3A_13 = tpu.memref_slice %arg10[%mul3A_2, %dma_start3A] : memref<10240x128xf32, #tpu.memory_space<vmem_shared>> -> memref<640x128xf32, #tpu.memory_space<vmem_shared>>
      %dma_start3A_14 = arith.constant 0 : i32
      %dma_start3A_15 = tpu.memref_slice %arg5[%mul3A_0, %dma_start3A_14] : memref<10240x128xf32, #tpu.memory_space<hbm>> -> memref<640x128xf32, #tpu.memory_space<hbm>>
      tpu.enqueue_dma source(%dma_start3A_15 : memref<640x128xf32, #tpu.memory_space<hbm>>) target(%dma_start3A_13 : memref<640x128xf32, #tpu.memory_space<vmem_shared>>) target_semaphore(%run_scoped3A : memref<!tpu.dma_semaphore, #tpu.memory_space<semaphore_mem>>)
      %dma_wait3A = arith.constant 0 : i32
      %dma_wait3A_16 = tpu.memref_slice %arg10[%mul3A_2, %dma_wait3A] : memref<10240x128xf32, #tpu.memory_space<vmem_shared>> -> memref<640x128xf32, #tpu.memory_space<vmem_shared>>
      %dma_wait3A_17 = arith.constant 0 : i32
      %dma_wait3A_18 = tpu.memref_slice %arg5[%mul3A_0, %dma_wait3A_17] : memref<10240x128xf32, #tpu.memory_space<hbm>> -> memref<640x128xf32, #tpu.memory_space<hbm>>
      tpu.wait_dma2 semaphore(%run_scoped3A : memref<!tpu.dma_semaphore, #tpu.memory_space<semaphore_mem>>) src(%dma_wait3A_18 : memref<640x128xf32, #tpu.memory_space<hbm>>) dst(%dma_wait3A_16 : memref<640x128xf32, #tpu.memory_space<vmem_shared>>)
      tpu.yield
    }) : () -> ()
    %barrier3A = arith.constant 0 : index
    tpu.barrier barrier_id(%barrier3A)
    %scan3A = arith.constant 0 : i32
    %scan3A_3 = arith.constant 0 : i32
    %scan3A_4 = arith.constant 79 : i32
    %scan3A_5 = arith.addi %scan3A_3, %scan3A_4 : i32
    %scan3A_6 = arith.constant 1 : i32
    scf.for %scan3A_13 = %scan3A_3 to %scan3A_5 step %scan3A_6  : i32 {
      "tpu.region"() ({
        %run_scoped3A = tpu.sem_alloc : memref<!tpu.dma_semaphore, #tpu.memory_space<semaphore_mem>>
        %dma_start3A_18 = arith.constant 0 : i32
        %dma_start3A_19 = tpu.memref_slice %arg3[%arg0, %arg1, %scan3A_13, %dma_start3A_18] : memref<2x16x79x128xi32, #tpu.memory_space<hbm>> -> memref<1x1x1x128xi32, #tpu.memory_space<hbm>>
        %dma_start3A_20 = tpu.memref_squeeze %dma_start3A_19 : memref<1x1x1x128xi32, #tpu.memory_space<hbm>> -> memref<128xi32, #tpu.memory_space<hbm>>
        %dma_start3A_21 = arith.constant 0 : i32
        %dma_start3A_22 = tpu.memref_slice %arg3[%arg0, %arg1, %scan3A_13, %dma_start3A_21] : memref<2x16x79x128xi32, #tpu.memory_space<hbm>> -> memref<1x1x1x128xi32, #tpu.memory_space<hbm>>
        %dma_start3A_23 = tpu.memref_squeeze %dma_start3A_22 : memref<1x1x1x128xi32, #tpu.memory_space<hbm>> -> memref<128xi32, #tpu.memory_space<hbm>>
        tpu.enqueue_dma source(%dma_start3A_23 : memref<128xi32, #tpu.memory_space<hbm>>) target(%arg7 : memref<128xi32, #tpu.memory_space<vmem>>) target_semaphore(%run_scoped3A : memref<!tpu.dma_semaphore, #tpu.memory_space<semaphore_mem>>)
        %dma_wait3A_24 = arith.constant 0 : i32
        %dma_wait3A_25 = tpu.memref_slice %arg3[%arg0, %arg1, %scan3A_13, %dma_wait3A_24] : memref<2x16x79x128xi32, #tpu.memory_space<hbm>> -> memref<1x1x1x128xi32, #tpu.memory_space<hbm>>
        %dma_wait3A_26 = tpu.memref_squeeze %dma_wait3A_25 : memref<1x1x1x128xi32, #tpu.memory_space<hbm>> -> memref<128xi32, #tpu.memory_space<hbm>>
        %dma_wait3A_27 = arith.constant 0 : i32
        %dma_wait3A_28 = tpu.memref_slice %arg3[%arg0, %arg1, %scan3A_13, %dma_wait3A_27] : memref<2x16x79x128xi32, #tpu.memory_space<hbm>> -> memref<1x1x1x128xi32, #tpu.memory_space<hbm>>
        %dma_wait3A_29 = tpu.memref_squeeze %dma_wait3A_28 : memref<1x1x1x128xi32, #tpu.memory_space<hbm>> -> memref<128xi32, #tpu.memory_space<hbm>>
        tpu.wait_dma2 semaphore(%run_scoped3A : memref<!tpu.dma_semaphore, #tpu.memory_space<semaphore_mem>>) src(%dma_wait3A_29 : memref<128xi32, #tpu.memory_space<hbm>>) dst(%arg7 : memref<128xi32, #tpu.memory_space<vmem>>)
        tpu.yield
      }) : () -> ()
      "tpu.region"() ({
        %run_scoped3A = tpu.sem_alloc : memref<!tpu.dma_semaphore, #tpu.memory_space<semaphore_mem>>
        %dma_start3A_18 = arith.constant 0 : i32
        %dma_start3A_19 = tpu.memref_slice %arg4[%arg0, %arg1, %scan3A_13, %dma_start3A_18] : memref<2x16x79x128xi32, #tpu.memory_space<hbm>> -> memref<1x1x1x128xi32, #tpu.memory_space<hbm>>
        %dma_start3A_20 = tpu.memref_squeeze %dma_start3A_19 : memref<1x1x1x128xi32, #tpu.memory_space<hbm>> -> memref<128xi32, #tpu.memory_space<hbm>>
        %dma_start3A_21 = arith.constant 0 : i32
        %dma_start3A_22 = tpu.memref_slice %arg4[%arg0, %arg1, %scan3A_13, %dma_start3A_21] : memref<2x16x79x128xi32, #tpu.memory_space<hbm>> -> memref<1x1x1x128xi32, #tpu.memory_space<hbm>>
        %dma_start3A_23 = tpu.memref_squeeze %dma_start3A_22 : memref<1x1x1x128xi32, #tpu.memory_space<hbm>> -> memref<128xi32, #tpu.memory_space<hbm>>
        tpu.enqueue_dma source(%dma_start3A_23 : memref<128xi32, #tpu.memory_space<hbm>>) target(%arg8 : memref<128xi32, #tpu.memory_space<vmem>>) target_semaphore(%run_scoped3A : memref<!tpu.dma_semaphore, #tpu.memory_space<semaphore_mem>>)
        %dma_wait3A_24 = arith.constant 0 : i32
        %dma_wait3A_25 = tpu.memref_slice %arg4[%arg0, %arg1, %scan3A_13, %dma_wait3A_24] : memref<2x16x79x128xi32, #tpu.memory_space<hbm>> -> memref<1x1x1x128xi32, #tpu.memory_space<hbm>>
        %dma_wait3A_26 = tpu.memref_squeeze %dma_wait3A_25 : memref<1x1x1x128xi32, #tpu.memory_space<hbm>> -> memref<128xi32, #tpu.memory_space<hbm>>
        %dma_wait3A_27 = arith.constant 0 : i32
        %dma_wait3A_28 = tpu.memref_slice %arg4[%arg0, %arg1, %scan3A_13, %dma_wait3A_27] : memref<2x16x79x128xi32, #tpu.memory_space<hbm>> -> memref<1x1x1x128xi32, #tpu.memory_space<hbm>>
        %dma_wait3A_29 = tpu.memref_squeeze %dma_wait3A_28 : memref<1x1x1x128xi32, #tpu.memory_space<hbm>> -> memref<128xi32, #tpu.memory_space<hbm>>
        tpu.wait_dma2 semaphore(%run_scoped3A : memref<!tpu.dma_semaphore, #tpu.memory_space<semaphore_mem>>) src(%dma_wait3A_29 : memref<128xi32, #tpu.memory_space<hbm>>) dst(%arg8 : memref<128xi32, #tpu.memory_space<vmem>>)
        tpu.yield
      }) : () -> ()
      %dma_start3A = arith.constant 0 : i32
      %dma_start3A_14 = arith.constant 0 : i32
      %dma_start3A_15 = tpu.memref_slice %arg2[%dma_start3A, %dma_start3A_14] : memref<10240x128xf32, #tpu.memory_space<hbm>> -> memref<10240x128xf32, #tpu.memory_space<hbm>>
      tpu.enqueue_indirect_dma source(%dma_start3A_15 : memref<10240x128xf32, #tpu.memory_space<hbm>>) target(%arg9 : memref<128x128xf32, #tpu.memory_space<vmem>>) offsets(%arg7 : memref<128xi32, #tpu.memory_space<vmem>>) semaphore(%arg11 : memref<!tpu.dma_semaphore, #tpu.memory_space<semaphore_mem>>)
      %dma_wait3A = arith.constant 0 : i32
      %dma_wait3A_16 = arith.constant 0 : i32
      %dma_wait3A_17 = tpu.memref_slice %arg2[%dma_wait3A, %dma_wait3A_16] : memref<10240x128xf32, #tpu.memory_space<hbm>> -> memref<10240x128xf32, #tpu.memory_space<hbm>>
      tpu.wait_indirect_dma semaphore(%arg11 : memref<!tpu.dma_semaphore, #tpu.memory_space<semaphore_mem>>) src(%dma_wait3A_17 : memref<10240x128xf32, #tpu.memory_space<hbm>>) dst(%arg9 : memref<128x128xf32, #tpu.memory_space<vmem>>)
      "tpu.region"() ({
        %run_scoped3A = tpu.sem_alloc : memref<!tpu.dma_semaphore, #tpu.memory_space<semaphore_mem>>
        %dma_start3A_18 = arith.constant 0 : i32
        %dma_start3A_19 = arith.constant 0 : i32
        %dma_start3A_20 = tpu.memref_slice %arg10[%dma_start3A_18, %dma_start3A_19] : memref<10240x128xf32, #tpu.memory_space<vmem_shared>> -> memref<10240x128xf32, #tpu.memory_space<vmem_shared>>
        tpu.enqueue_indirect_dma source(%arg9 : memref<128x128xf32, #tpu.memory_space<vmem>>) target(%dma_start3A_20 : memref<10240x128xf32, #tpu.memory_space<vmem_shared>>) offsets(%arg8 : memref<128xi32, #tpu.memory_space<vmem>>) semaphore(%run_scoped3A : memref<!tpu.dma_semaphore, #tpu.memory_space<semaphore_mem>>) {add = true}
        %dma_wait3A_21 = arith.constant 0 : i32
        %dma_wait3A_22 = arith.constant 0 : i32
        %dma_wait3A_23 = tpu.memref_slice %arg10[%dma_wait3A_21, %dma_wait3A_22] : memref<10240x128xf32, #tpu.memory_space<vmem_shared>> -> memref<10240x128xf32, #tpu.memory_space<vmem_shared>>
        tpu.wait_indirect_dma semaphore(%run_scoped3A : memref<!tpu.dma_semaphore, #tpu.memory_space<semaphore_mem>>) src(%arg9 : memref<128x128xf32, #tpu.memory_space<vmem>>) dst(%dma_wait3A_23 : memref<10240x128xf32, #tpu.memory_space<vmem_shared>>)
        tpu.yield
      }) : () -> ()
    }
    %scan3A_7 = arith.constant 79 : i32
    %barrier3A_8 = arith.constant 0 : index
    tpu.barrier barrier_id(%barrier3A_8)
    %mul3A_9 = arith.constant 640 : i32
    %mul3A_10 = arith.muli %arg1, %mul3A_9 : i32
    %mul3A_11 = arith.constant 640 : i32
    %mul3A_12 = arith.muli %arg1, %mul3A_11 : i32
    "tpu.region"() ({
      %run_scoped3A = tpu.sem_alloc : memref<!tpu.dma_semaphore, #tpu.memory_space<semaphore_mem>>
      %dma_start3A = arith.constant 0 : i32
      %dma_start3A_13 = tpu.memref_slice %arg6[%arg0, %mul3A_12, %dma_start3A] : memref<2x10240x128xf32, #tpu.memory_space<hbm>> -> memref<1x640x128xf32, #tpu.memory_space<hbm>>
      %dma_start3A_14 = tpu.memref_squeeze %dma_start3A_13 : memref<1x640x128xf32, #tpu.memory_space<hbm>> -> memref<640x128xf32, #tpu.memory_space<hbm>>
      %dma_start3A_15 = arith.constant 0 : i32
      %dma_start3A_16 = tpu.memref_slice %arg10[%mul3A_10, %dma_start3A_15] : memref<10240x128xf32, #tpu.memory_space<vmem_shared>> -> memref<640x128xf32, #tpu.memory_space<vmem_shared>>
      tpu.enqueue_dma source(%dma_start3A_16 : memref<640x128xf32, #tpu.memory_space<vmem_shared>>) target(%dma_start3A_14 : memref<640x128xf32, #tpu.memory_space<hbm>>) target_semaphore(%run_scoped3A : memref<!tpu.dma_semaphore, #tpu.memory_space<semaphore_mem>>)
      %dma_wait3A = arith.constant 0 : i32
      %dma_wait3A_17 = tpu.memref_slice %arg6[%arg0, %mul3A_12, %dma_wait3A] : memref<2x10240x128xf32, #tpu.memory_space<hbm>> -> memref<1x640x128xf32, #tpu.memory_space<hbm>>
      %dma_wait3A_18 = tpu.memref_squeeze %dma_wait3A_17 : memref<1x640x128xf32, #tpu.memory_space<hbm>> -> memref<640x128xf32, #tpu.memory_space<hbm>>
      %dma_wait3A_19 = arith.constant 0 : i32
      %dma_wait3A_20 = tpu.memref_slice %arg10[%mul3A_10, %dma_wait3A_19] : memref<10240x128xf32, #tpu.memory_space<vmem_shared>> -> memref<640x128xf32, #tpu.memory_space<vmem_shared>>
      tpu.wait_dma2 semaphore(%run_scoped3A : memref<!tpu.dma_semaphore, #tpu.memory_space<semaphore_mem>>) src(%dma_wait3A_20 : memref<640x128xf32, #tpu.memory_space<vmem_shared>>) dst(%dma_wait3A_18 : memref<640x128xf32, #tpu.memory_space<hbm>>)
      tpu.yield
    }) : () -> ()
    return
  }
}

#map = affine_map<(d0, d1) -> (0, 0)>
#map1 = affine_map<(d0, d1) -> (0, 0, 0, 0)>
#map2 = affine_map<(d0, d1) -> (0, 0, 0)>
module attributes {stable_mosaic.version = 14 : i64} {
  func.func @seg_sc(%arg0: i32, %arg1: i32, %arg2: memref<20480x128xf32, #tpu.memory_space<hbm>>, %arg3: memref<2x16x157x128xi32, #tpu.memory_space<hbm>>, %arg4: memref<2x16x157x128xi32, #tpu.memory_space<hbm>>, %arg5: memref<10240x128xf32, #tpu.memory_space<hbm>>, %arg6: memref<2x10240x128xf32, #tpu.memory_space<hbm>>, %arg7: memref<128xi32, #tpu.memory_space<vmem>>, %arg8: memref<128xi32, #tpu.memory_space<vmem>>, %arg9: memref<128x128xf32, #tpu.memory_space<vmem>>, %arg10: memref<10240x128xf32, #tpu.memory_space<vmem_shared>>, %arg11: memref<!tpu.dma_semaphore, #tpu.memory_space<semaphore_mem>>) attributes {dimension_semantics = [#tpu.dimension_semantics<core_parallel>, #tpu.dimension_semantics<subcore_parallel>], iteration_bounds = array<i64: 2, 16>, scalar_prefetch = 0 : i64, scratch_operands = 5 : i64, tpu.core_type = #tpu.core_type<sc_vector_subcore>, window_params = [{transform_indices = #map}, {transform_indices = #map1}, {transform_indices = #map1}, {transform_indices = #map}, {transform_indices = #map2}]} {
    %mul3A = arith.constant 640 : i32
    %mul3A_0 = arith.muli %arg1, %mul3A : i32
    %mul3A_1 = arith.constant 640 : i32
    %mul3A_2 = arith.muli %arg1, %mul3A_1 : i32
    "tpu.region"() ({
      %run_scoped3A = tpu.sem_alloc : memref<!tpu.dma_semaphore, #tpu.memory_space<semaphore_mem>>
      %dma_start3A = arith.constant 0 : i32
      %dma_start3A_13 = tpu.memref_slice %arg10[%mul3A_2, %dma_start3A] : memref<10240x128xf32, #tpu.memory_space<vmem_shared>> -> memref<640x128xf32, #tpu.memory_space<vmem_shared>>
      %dma_start3A_14 = arith.constant 0 : i32
      %dma_start3A_15 = tpu.memref_slice %arg5[%mul3A_0, %dma_start3A_14] : memref<10240x128xf32, #tpu.memory_space<hbm>> -> memref<640x128xf32, #tpu.memory_space<hbm>>
      tpu.enqueue_dma source(%dma_start3A_15 : memref<640x128xf32, #tpu.memory_space<hbm>>) target(%dma_start3A_13 : memref<640x128xf32, #tpu.memory_space<vmem_shared>>) target_semaphore(%run_scoped3A : memref<!tpu.dma_semaphore, #tpu.memory_space<semaphore_mem>>)
      %dma_wait3A = arith.constant 0 : i32
      %dma_wait3A_16 = tpu.memref_slice %arg10[%mul3A_2, %dma_wait3A] : memref<10240x128xf32, #tpu.memory_space<vmem_shared>> -> memref<640x128xf32, #tpu.memory_space<vmem_shared>>
      %dma_wait3A_17 = arith.constant 0 : i32
      %dma_wait3A_18 = tpu.memref_slice %arg5[%mul3A_0, %dma_wait3A_17] : memref<10240x128xf32, #tpu.memory_space<hbm>> -> memref<640x128xf32, #tpu.memory_space<hbm>>
      tpu.wait_dma2 semaphore(%run_scoped3A : memref<!tpu.dma_semaphore, #tpu.memory_space<semaphore_mem>>) src(%dma_wait3A_18 : memref<640x128xf32, #tpu.memory_space<hbm>>) dst(%dma_wait3A_16 : memref<640x128xf32, #tpu.memory_space<vmem_shared>>)
      tpu.yield
    }) : () -> ()
    %barrier3A = arith.constant 0 : index
    tpu.barrier barrier_id(%barrier3A)
    %scan3A = arith.constant 0 : i32
    %scan3A_3 = arith.constant 0 : i32
    %scan3A_4 = arith.constant 157 : i32
    %scan3A_5 = arith.addi %scan3A_3, %scan3A_4 : i32
    %scan3A_6 = arith.constant 1 : i32
    scf.for %scan3A_13 = %scan3A_3 to %scan3A_5 step %scan3A_6  : i32 {
      "tpu.region"() ({
        %run_scoped3A = tpu.sem_alloc : memref<!tpu.dma_semaphore, #tpu.memory_space<semaphore_mem>>
        %dma_start3A_18 = arith.constant 0 : i32
        %dma_start3A_19 = tpu.memref_slice %arg3[%arg0, %arg1, %scan3A_13, %dma_start3A_18] : memref<2x16x157x128xi32, #tpu.memory_space<hbm>> -> memref<1x1x1x128xi32, #tpu.memory_space<hbm>>
        %dma_start3A_20 = tpu.memref_squeeze %dma_start3A_19 : memref<1x1x1x128xi32, #tpu.memory_space<hbm>> -> memref<128xi32, #tpu.memory_space<hbm>>
        %dma_start3A_21 = arith.constant 0 : i32
        %dma_start3A_22 = tpu.memref_slice %arg3[%arg0, %arg1, %scan3A_13, %dma_start3A_21] : memref<2x16x157x128xi32, #tpu.memory_space<hbm>> -> memref<1x1x1x128xi32, #tpu.memory_space<hbm>>
        %dma_start3A_23 = tpu.memref_squeeze %dma_start3A_22 : memref<1x1x1x128xi32, #tpu.memory_space<hbm>> -> memref<128xi32, #tpu.memory_space<hbm>>
        tpu.enqueue_dma source(%dma_start3A_23 : memref<128xi32, #tpu.memory_space<hbm>>) target(%arg7 : memref<128xi32, #tpu.memory_space<vmem>>) target_semaphore(%run_scoped3A : memref<!tpu.dma_semaphore, #tpu.memory_space<semaphore_mem>>)
        %dma_wait3A_24 = arith.constant 0 : i32
        %dma_wait3A_25 = tpu.memref_slice %arg3[%arg0, %arg1, %scan3A_13, %dma_wait3A_24] : memref<2x16x157x128xi32, #tpu.memory_space<hbm>> -> memref<1x1x1x128xi32, #tpu.memory_space<hbm>>
        %dma_wait3A_26 = tpu.memref_squeeze %dma_wait3A_25 : memref<1x1x1x128xi32, #tpu.memory_space<hbm>> -> memref<128xi32, #tpu.memory_space<hbm>>
        %dma_wait3A_27 = arith.constant 0 : i32
        %dma_wait3A_28 = tpu.memref_slice %arg3[%arg0, %arg1, %scan3A_13, %dma_wait3A_27] : memref<2x16x157x128xi32, #tpu.memory_space<hbm>> -> memref<1x1x1x128xi32, #tpu.memory_space<hbm>>
        %dma_wait3A_29 = tpu.memref_squeeze %dma_wait3A_28 : memref<1x1x1x128xi32, #tpu.memory_space<hbm>> -> memref<128xi32, #tpu.memory_space<hbm>>
        tpu.wait_dma2 semaphore(%run_scoped3A : memref<!tpu.dma_semaphore, #tpu.memory_space<semaphore_mem>>) src(%dma_wait3A_29 : memref<128xi32, #tpu.memory_space<hbm>>) dst(%arg7 : memref<128xi32, #tpu.memory_space<vmem>>)
        tpu.yield
      }) : () -> ()
      "tpu.region"() ({
        %run_scoped3A = tpu.sem_alloc : memref<!tpu.dma_semaphore, #tpu.memory_space<semaphore_mem>>
        %dma_start3A_18 = arith.constant 0 : i32
        %dma_start3A_19 = tpu.memref_slice %arg4[%arg0, %arg1, %scan3A_13, %dma_start3A_18] : memref<2x16x157x128xi32, #tpu.memory_space<hbm>> -> memref<1x1x1x128xi32, #tpu.memory_space<hbm>>
        %dma_start3A_20 = tpu.memref_squeeze %dma_start3A_19 : memref<1x1x1x128xi32, #tpu.memory_space<hbm>> -> memref<128xi32, #tpu.memory_space<hbm>>
        %dma_start3A_21 = arith.constant 0 : i32
        %dma_start3A_22 = tpu.memref_slice %arg4[%arg0, %arg1, %scan3A_13, %dma_start3A_21] : memref<2x16x157x128xi32, #tpu.memory_space<hbm>> -> memref<1x1x1x128xi32, #tpu.memory_space<hbm>>
        %dma_start3A_23 = tpu.memref_squeeze %dma_start3A_22 : memref<1x1x1x128xi32, #tpu.memory_space<hbm>> -> memref<128xi32, #tpu.memory_space<hbm>>
        tpu.enqueue_dma source(%dma_start3A_23 : memref<128xi32, #tpu.memory_space<hbm>>) target(%arg8 : memref<128xi32, #tpu.memory_space<vmem>>) target_semaphore(%run_scoped3A : memref<!tpu.dma_semaphore, #tpu.memory_space<semaphore_mem>>)
        %dma_wait3A_24 = arith.constant 0 : i32
        %dma_wait3A_25 = tpu.memref_slice %arg4[%arg0, %arg1, %scan3A_13, %dma_wait3A_24] : memref<2x16x157x128xi32, #tpu.memory_space<hbm>> -> memref<1x1x1x128xi32, #tpu.memory_space<hbm>>
        %dma_wait3A_26 = tpu.memref_squeeze %dma_wait3A_25 : memref<1x1x1x128xi32, #tpu.memory_space<hbm>> -> memref<128xi32, #tpu.memory_space<hbm>>
        %dma_wait3A_27 = arith.constant 0 : i32
        %dma_wait3A_28 = tpu.memref_slice %arg4[%arg0, %arg1, %scan3A_13, %dma_wait3A_27] : memref<2x16x157x128xi32, #tpu.memory_space<hbm>> -> memref<1x1x1x128xi32, #tpu.memory_space<hbm>>
        %dma_wait3A_29 = tpu.memref_squeeze %dma_wait3A_28 : memref<1x1x1x128xi32, #tpu.memory_space<hbm>> -> memref<128xi32, #tpu.memory_space<hbm>>
        tpu.wait_dma2 semaphore(%run_scoped3A : memref<!tpu.dma_semaphore, #tpu.memory_space<semaphore_mem>>) src(%dma_wait3A_29 : memref<128xi32, #tpu.memory_space<hbm>>) dst(%arg8 : memref<128xi32, #tpu.memory_space<vmem>>)
        tpu.yield
      }) : () -> ()
      %dma_start3A = arith.constant 0 : i32
      %dma_start3A_14 = arith.constant 0 : i32
      %dma_start3A_15 = tpu.memref_slice %arg2[%dma_start3A, %dma_start3A_14] : memref<20480x128xf32, #tpu.memory_space<hbm>> -> memref<20480x128xf32, #tpu.memory_space<hbm>>
      tpu.enqueue_indirect_dma source(%dma_start3A_15 : memref<20480x128xf32, #tpu.memory_space<hbm>>) target(%arg9 : memref<128x128xf32, #tpu.memory_space<vmem>>) offsets(%arg7 : memref<128xi32, #tpu.memory_space<vmem>>) semaphore(%arg11 : memref<!tpu.dma_semaphore, #tpu.memory_space<semaphore_mem>>)
      %dma_wait3A = arith.constant 0 : i32
      %dma_wait3A_16 = arith.constant 0 : i32
      %dma_wait3A_17 = tpu.memref_slice %arg2[%dma_wait3A, %dma_wait3A_16] : memref<20480x128xf32, #tpu.memory_space<hbm>> -> memref<20480x128xf32, #tpu.memory_space<hbm>>
      tpu.wait_indirect_dma semaphore(%arg11 : memref<!tpu.dma_semaphore, #tpu.memory_space<semaphore_mem>>) src(%dma_wait3A_17 : memref<20480x128xf32, #tpu.memory_space<hbm>>) dst(%arg9 : memref<128x128xf32, #tpu.memory_space<vmem>>)
      "tpu.region"() ({
        %run_scoped3A = tpu.sem_alloc : memref<!tpu.dma_semaphore, #tpu.memory_space<semaphore_mem>>
        %dma_start3A_18 = arith.constant 0 : i32
        %dma_start3A_19 = arith.constant 0 : i32
        %dma_start3A_20 = tpu.memref_slice %arg10[%dma_start3A_18, %dma_start3A_19] : memref<10240x128xf32, #tpu.memory_space<vmem_shared>> -> memref<10240x128xf32, #tpu.memory_space<vmem_shared>>
        tpu.enqueue_indirect_dma source(%arg9 : memref<128x128xf32, #tpu.memory_space<vmem>>) target(%dma_start3A_20 : memref<10240x128xf32, #tpu.memory_space<vmem_shared>>) offsets(%arg8 : memref<128xi32, #tpu.memory_space<vmem>>) semaphore(%run_scoped3A : memref<!tpu.dma_semaphore, #tpu.memory_space<semaphore_mem>>) {add = true}
        %dma_wait3A_21 = arith.constant 0 : i32
        %dma_wait3A_22 = arith.constant 0 : i32
        %dma_wait3A_23 = tpu.memref_slice %arg10[%dma_wait3A_21, %dma_wait3A_22] : memref<10240x128xf32, #tpu.memory_space<vmem_shared>> -> memref<10240x128xf32, #tpu.memory_space<vmem_shared>>
        tpu.wait_indirect_dma semaphore(%run_scoped3A : memref<!tpu.dma_semaphore, #tpu.memory_space<semaphore_mem>>) src(%arg9 : memref<128x128xf32, #tpu.memory_space<vmem>>) dst(%dma_wait3A_23 : memref<10240x128xf32, #tpu.memory_space<vmem_shared>>)
        tpu.yield
      }) : () -> ()
    }
    %scan3A_7 = arith.constant 157 : i32
    %barrier3A_8 = arith.constant 0 : index
    tpu.barrier barrier_id(%barrier3A_8)
    %mul3A_9 = arith.constant 640 : i32
    %mul3A_10 = arith.muli %arg1, %mul3A_9 : i32
    %mul3A_11 = arith.constant 640 : i32
    %mul3A_12 = arith.muli %arg1, %mul3A_11 : i32
    "tpu.region"() ({
      %run_scoped3A = tpu.sem_alloc : memref<!tpu.dma_semaphore, #tpu.memory_space<semaphore_mem>>
      %dma_start3A = arith.constant 0 : i32
      %dma_start3A_13 = tpu.memref_slice %arg6[%arg0, %mul3A_12, %dma_start3A] : memref<2x10240x128xf32, #tpu.memory_space<hbm>> -> memref<1x640x128xf32, #tpu.memory_space<hbm>>
      %dma_start3A_14 = tpu.memref_squeeze %dma_start3A_13 : memref<1x640x128xf32, #tpu.memory_space<hbm>> -> memref<640x128xf32, #tpu.memory_space<hbm>>
      %dma_start3A_15 = arith.constant 0 : i32
      %dma_start3A_16 = tpu.memref_slice %arg10[%mul3A_10, %dma_start3A_15] : memref<10240x128xf32, #tpu.memory_space<vmem_shared>> -> memref<640x128xf32, #tpu.memory_space<vmem_shared>>
      tpu.enqueue_dma source(%dma_start3A_16 : memref<640x128xf32, #tpu.memory_space<vmem_shared>>) target(%dma_start3A_14 : memref<640x128xf32, #tpu.memory_space<hbm>>) target_semaphore(%run_scoped3A : memref<!tpu.dma_semaphore, #tpu.memory_space<semaphore_mem>>)
      %dma_wait3A = arith.constant 0 : i32
      %dma_wait3A_17 = tpu.memref_slice %arg6[%arg0, %mul3A_12, %dma_wait3A] : memref<2x10240x128xf32, #tpu.memory_space<hbm>> -> memref<1x640x128xf32, #tpu.memory_space<hbm>>
      %dma_wait3A_18 = tpu.memref_squeeze %dma_wait3A_17 : memref<1x640x128xf32, #tpu.memory_space<hbm>> -> memref<640x128xf32, #tpu.memory_space<hbm>>
      %dma_wait3A_19 = arith.constant 0 : i32
      %dma_wait3A_20 = tpu.memref_slice %arg10[%mul3A_10, %dma_wait3A_19] : memref<10240x128xf32, #tpu.memory_space<vmem_shared>> -> memref<640x128xf32, #tpu.memory_space<vmem_shared>>
      tpu.wait_dma2 semaphore(%run_scoped3A : memref<!tpu.dma_semaphore, #tpu.memory_space<semaphore_mem>>) src(%dma_wait3A_20 : memref<640x128xf32, #tpu.memory_space<vmem_shared>>) dst(%dma_wait3A_18 : memref<640x128xf32, #tpu.memory_space<hbm>>)
      tpu.yield
    }) : () -> ()
    return
  }
}

#map = affine_map<(d0, d1) -> (0, 0)>
#map1 = affine_map<(d0, d1) -> (0, 0, 0, 0)>
#map2 = affine_map<(d0, d1) -> (0, 0, 0)>
module attributes {stable_mosaic.version = 14 : i64} {
  func.func @seg_sc(%arg0: i32, %arg1: i32, %arg2: memref<20480x128xf32, #tpu.memory_space<hbm>>, %arg3: memref<2x16x157x128xi32, #tpu.memory_space<hbm>>, %arg4: memref<2x16x157x128xi32, #tpu.memory_space<hbm>>, %arg5: memref<10240x128xf32, #tpu.memory_space<hbm>>, %arg6: memref<2x10240x128xf32, #tpu.memory_space<hbm>>, %arg7: memref<128xi32, #tpu.memory_space<vmem>>, %arg8: memref<128xi32, #tpu.memory_space<vmem>>, %arg9: memref<128x128xf32, #tpu.memory_space<vmem>>, %arg10: memref<10240x128xf32, #tpu.memory_space<vmem_shared>>, %arg11: memref<!tpu.dma_semaphore, #tpu.memory_space<semaphore_mem>>) attributes {dimension_semantics = [#tpu.dimension_semantics<core_parallel>, #tpu.dimension_semantics<subcore_parallel>], iteration_bounds = array<i64: 2, 16>, scalar_prefetch = 0 : i64, scratch_operands = 5 : i64, tpu.core_type = #tpu.core_type<sc_vector_subcore>, window_params = [{transform_indices = #map}, {transform_indices = #map1}, {transform_indices = #map1}, {transform_indices = #map}, {transform_indices = #map2}]} {
    %mul3A = arith.constant 640 : i32
    %mul3A_0 = arith.muli %arg1, %mul3A : i32
    %mul3A_1 = arith.constant 640 : i32
    %mul3A_2 = arith.muli %arg1, %mul3A_1 : i32
    "tpu.region"() ({
      %run_scoped3A = tpu.sem_alloc : memref<!tpu.dma_semaphore, #tpu.memory_space<semaphore_mem>>
      %dma_start3A = arith.constant 0 : i32
      %dma_start3A_13 = tpu.memref_slice %arg10[%mul3A_2, %dma_start3A] : memref<10240x128xf32, #tpu.memory_space<vmem_shared>> -> memref<640x128xf32, #tpu.memory_space<vmem_shared>>
      %dma_start3A_14 = arith.constant 0 : i32
      %dma_start3A_15 = tpu.memref_slice %arg5[%mul3A_0, %dma_start3A_14] : memref<10240x128xf32, #tpu.memory_space<hbm>> -> memref<640x128xf32, #tpu.memory_space<hbm>>
      tpu.enqueue_dma source(%dma_start3A_15 : memref<640x128xf32, #tpu.memory_space<hbm>>) target(%dma_start3A_13 : memref<640x128xf32, #tpu.memory_space<vmem_shared>>) target_semaphore(%run_scoped3A : memref<!tpu.dma_semaphore, #tpu.memory_space<semaphore_mem>>)
      %dma_wait3A = arith.constant 0 : i32
      %dma_wait3A_16 = tpu.memref_slice %arg10[%mul3A_2, %dma_wait3A] : memref<10240x128xf32, #tpu.memory_space<vmem_shared>> -> memref<640x128xf32, #tpu.memory_space<vmem_shared>>
      %dma_wait3A_17 = arith.constant 0 : i32
      %dma_wait3A_18 = tpu.memref_slice %arg5[%mul3A_0, %dma_wait3A_17] : memref<10240x128xf32, #tpu.memory_space<hbm>> -> memref<640x128xf32, #tpu.memory_space<hbm>>
      tpu.wait_dma2 semaphore(%run_scoped3A : memref<!tpu.dma_semaphore, #tpu.memory_space<semaphore_mem>>) src(%dma_wait3A_18 : memref<640x128xf32, #tpu.memory_space<hbm>>) dst(%dma_wait3A_16 : memref<640x128xf32, #tpu.memory_space<vmem_shared>>)
      tpu.yield
    }) : () -> ()
    %barrier3A = arith.constant 0 : index
    tpu.barrier barrier_id(%barrier3A)
    %scan3A = arith.constant 0 : i32
    %scan3A_3 = arith.constant 0 : i32
    %scan3A_4 = arith.constant 157 : i32
    %scan3A_5 = arith.addi %scan3A_3, %scan3A_4 : i32
    %scan3A_6 = arith.constant 1 : i32
    scf.for %scan3A_13 = %scan3A_3 to %scan3A_5 step %scan3A_6  : i32 {
      "tpu.region"() ({
        %run_scoped3A = tpu.sem_alloc : memref<!tpu.dma_semaphore, #tpu.memory_space<semaphore_mem>>
        %dma_start3A_18 = arith.constant 0 : i32
        %dma_start3A_19 = tpu.memref_slice %arg3[%arg0, %arg1, %scan3A_13, %dma_start3A_18] : memref<2x16x157x128xi32, #tpu.memory_space<hbm>> -> memref<1x1x1x128xi32, #tpu.memory_space<hbm>>
        %dma_start3A_20 = tpu.memref_squeeze %dma_start3A_19 : memref<1x1x1x128xi32, #tpu.memory_space<hbm>> -> memref<128xi32, #tpu.memory_space<hbm>>
        %dma_start3A_21 = arith.constant 0 : i32
        %dma_start3A_22 = tpu.memref_slice %arg3[%arg0, %arg1, %scan3A_13, %dma_start3A_21] : memref<2x16x157x128xi32, #tpu.memory_space<hbm>> -> memref<1x1x1x128xi32, #tpu.memory_space<hbm>>
        %dma_start3A_23 = tpu.memref_squeeze %dma_start3A_22 : memref<1x1x1x128xi32, #tpu.memory_space<hbm>> -> memref<128xi32, #tpu.memory_space<hbm>>
        tpu.enqueue_dma source(%dma_start3A_23 : memref<128xi32, #tpu.memory_space<hbm>>) target(%arg7 : memref<128xi32, #tpu.memory_space<vmem>>) target_semaphore(%run_scoped3A : memref<!tpu.dma_semaphore, #tpu.memory_space<semaphore_mem>>)
        %dma_wait3A_24 = arith.constant 0 : i32
        %dma_wait3A_25 = tpu.memref_slice %arg3[%arg0, %arg1, %scan3A_13, %dma_wait3A_24] : memref<2x16x157x128xi32, #tpu.memory_space<hbm>> -> memref<1x1x1x128xi32, #tpu.memory_space<hbm>>
        %dma_wait3A_26 = tpu.memref_squeeze %dma_wait3A_25 : memref<1x1x1x128xi32, #tpu.memory_space<hbm>> -> memref<128xi32, #tpu.memory_space<hbm>>
        %dma_wait3A_27 = arith.constant 0 : i32
        %dma_wait3A_28 = tpu.memref_slice %arg3[%arg0, %arg1, %scan3A_13, %dma_wait3A_27] : memref<2x16x157x128xi32, #tpu.memory_space<hbm>> -> memref<1x1x1x128xi32, #tpu.memory_space<hbm>>
        %dma_wait3A_29 = tpu.memref_squeeze %dma_wait3A_28 : memref<1x1x1x128xi32, #tpu.memory_space<hbm>> -> memref<128xi32, #tpu.memory_space<hbm>>
        tpu.wait_dma2 semaphore(%run_scoped3A : memref<!tpu.dma_semaphore, #tpu.memory_space<semaphore_mem>>) src(%dma_wait3A_29 : memref<128xi32, #tpu.memory_space<hbm>>) dst(%arg7 : memref<128xi32, #tpu.memory_space<vmem>>)
        tpu.yield
      }) : () -> ()
      "tpu.region"() ({
        %run_scoped3A = tpu.sem_alloc : memref<!tpu.dma_semaphore, #tpu.memory_space<semaphore_mem>>
        %dma_start3A_18 = arith.constant 0 : i32
        %dma_start3A_19 = tpu.memref_slice %arg4[%arg0, %arg1, %scan3A_13, %dma_start3A_18] : memref<2x16x157x128xi32, #tpu.memory_space<hbm>> -> memref<1x1x1x128xi32, #tpu.memory_space<hbm>>
        %dma_start3A_20 = tpu.memref_squeeze %dma_start3A_19 : memref<1x1x1x128xi32, #tpu.memory_space<hbm>> -> memref<128xi32, #tpu.memory_space<hbm>>
        %dma_start3A_21 = arith.constant 0 : i32
        %dma_start3A_22 = tpu.memref_slice %arg4[%arg0, %arg1, %scan3A_13, %dma_start3A_21] : memref<2x16x157x128xi32, #tpu.memory_space<hbm>> -> memref<1x1x1x128xi32, #tpu.memory_space<hbm>>
        %dma_start3A_23 = tpu.memref_squeeze %dma_start3A_22 : memref<1x1x1x128xi32, #tpu.memory_space<hbm>> -> memref<128xi32, #tpu.memory_space<hbm>>
        tpu.enqueue_dma source(%dma_start3A_23 : memref<128xi32, #tpu.memory_space<hbm>>) target(%arg8 : memref<128xi32, #tpu.memory_space<vmem>>) target_semaphore(%run_scoped3A : memref<!tpu.dma_semaphore, #tpu.memory_space<semaphore_mem>>)
        %dma_wait3A_24 = arith.constant 0 : i32
        %dma_wait3A_25 = tpu.memref_slice %arg4[%arg0, %arg1, %scan3A_13, %dma_wait3A_24] : memref<2x16x157x128xi32, #tpu.memory_space<hbm>> -> memref<1x1x1x128xi32, #tpu.memory_space<hbm>>
        %dma_wait3A_26 = tpu.memref_squeeze %dma_wait3A_25 : memref<1x1x1x128xi32, #tpu.memory_space<hbm>> -> memref<128xi32, #tpu.memory_space<hbm>>
        %dma_wait3A_27 = arith.constant 0 : i32
        %dma_wait3A_28 = tpu.memref_slice %arg4[%arg0, %arg1, %scan3A_13, %dma_wait3A_27] : memref<2x16x157x128xi32, #tpu.memory_space<hbm>> -> memref<1x1x1x128xi32, #tpu.memory_space<hbm>>
        %dma_wait3A_29 = tpu.memref_squeeze %dma_wait3A_28 : memref<1x1x1x128xi32, #tpu.memory_space<hbm>> -> memref<128xi32, #tpu.memory_space<hbm>>
        tpu.wait_dma2 semaphore(%run_scoped3A : memref<!tpu.dma_semaphore, #tpu.memory_space<semaphore_mem>>) src(%dma_wait3A_29 : memref<128xi32, #tpu.memory_space<hbm>>) dst(%arg8 : memref<128xi32, #tpu.memory_space<vmem>>)
        tpu.yield
      }) : () -> ()
      %dma_start3A = arith.constant 0 : i32
      %dma_start3A_14 = arith.constant 0 : i32
      %dma_start3A_15 = tpu.memref_slice %arg2[%dma_start3A, %dma_start3A_14] : memref<20480x128xf32, #tpu.memory_space<hbm>> -> memref<20480x128xf32, #tpu.memory_space<hbm>>
      tpu.enqueue_indirect_dma source(%dma_start3A_15 : memref<20480x128xf32, #tpu.memory_space<hbm>>) target(%arg9 : memref<128x128xf32, #tpu.memory_space<vmem>>) offsets(%arg7 : memref<128xi32, #tpu.memory_space<vmem>>) semaphore(%arg11 : memref<!tpu.dma_semaphore, #tpu.memory_space<semaphore_mem>>)
      %dma_wait3A = arith.constant 0 : i32
      %dma_wait3A_16 = arith.constant 0 : i32
      %dma_wait3A_17 = tpu.memref_slice %arg2[%dma_wait3A, %dma_wait3A_16] : memref<20480x128xf32, #tpu.memory_space<hbm>> -> memref<20480x128xf32, #tpu.memory_space<hbm>>
      tpu.wait_indirect_dma semaphore(%arg11 : memref<!tpu.dma_semaphore, #tpu.memory_space<semaphore_mem>>) src(%dma_wait3A_17 : memref<20480x128xf32, #tpu.memory_space<hbm>>) dst(%arg9 : memref<128x128xf32, #tpu.memory_space<vmem>>)
      "tpu.region"() ({
        %run_scoped3A = tpu.sem_alloc : memref<!tpu.dma_semaphore, #tpu.memory_space<semaphore_mem>>
        %dma_start3A_18 = arith.constant 0 : i32
        %dma_start3A_19 = arith.constant 0 : i32
        %dma_start3A_20 = tpu.memref_slice %arg10[%dma_start3A_18, %dma_start3A_19] : memref<10240x128xf32, #tpu.memory_space<vmem_shared>> -> memref<10240x128xf32, #tpu.memory_space<vmem_shared>>
        tpu.enqueue_indirect_dma source(%arg9 : memref<128x128xf32, #tpu.memory_space<vmem>>) target(%dma_start3A_20 : memref<10240x128xf32, #tpu.memory_space<vmem_shared>>) offsets(%arg8 : memref<128xi32, #tpu.memory_space<vmem>>) semaphore(%run_scoped3A : memref<!tpu.dma_semaphore, #tpu.memory_space<semaphore_mem>>) {add = true}
        %dma_wait3A_21 = arith.constant 0 : i32
        %dma_wait3A_22 = arith.constant 0 : i32
        %dma_wait3A_23 = tpu.memref_slice %arg10[%dma_wait3A_21, %dma_wait3A_22] : memref<10240x128xf32, #tpu.memory_space<vmem_shared>> -> memref<10240x128xf32, #tpu.memory_space<vmem_shared>>
        tpu.wait_indirect_dma semaphore(%run_scoped3A : memref<!tpu.dma_semaphore, #tpu.memory_space<semaphore_mem>>) src(%arg9 : memref<128x128xf32, #tpu.memory_space<vmem>>) dst(%dma_wait3A_23 : memref<10240x128xf32, #tpu.memory_space<vmem_shared>>)
        tpu.yield
      }) : () -> ()
    }
    %scan3A_7 = arith.constant 157 : i32
    %barrier3A_8 = arith.constant 0 : index
    tpu.barrier barrier_id(%barrier3A_8)
    %mul3A_9 = arith.constant 640 : i32
    %mul3A_10 = arith.muli %arg1, %mul3A_9 : i32
    %mul3A_11 = arith.constant 640 : i32
    %mul3A_12 = arith.muli %arg1, %mul3A_11 : i32
    "tpu.region"() ({
      %run_scoped3A = tpu.sem_alloc : memref<!tpu.dma_semaphore, #tpu.memory_space<semaphore_mem>>
      %dma_start3A = arith.constant 0 : i32
      %dma_start3A_13 = tpu.memref_slice %arg6[%arg0, %mul3A_12, %dma_start3A] : memref<2x10240x128xf32, #tpu.memory_space<hbm>> -> memref<1x640x128xf32, #tpu.memory_space<hbm>>
      %dma_start3A_14 = tpu.memref_squeeze %dma_start3A_13 : memref<1x640x128xf32, #tpu.memory_space<hbm>> -> memref<640x128xf32, #tpu.memory_space<hbm>>
      %dma_start3A_15 = arith.constant 0 : i32
      %dma_start3A_16 = tpu.memref_slice %arg10[%mul3A_10, %dma_start3A_15] : memref<10240x128xf32, #tpu.memory_space<vmem_shared>> -> memref<640x128xf32, #tpu.memory_space<vmem_shared>>
      tpu.enqueue_dma source(%dma_start3A_16 : memref<640x128xf32, #tpu.memory_space<vmem_shared>>) target(%dma_start3A_14 : memref<640x128xf32, #tpu.memory_space<hbm>>) target_semaphore(%run_scoped3A : memref<!tpu.dma_semaphore, #tpu.memory_space<semaphore_mem>>)
      %dma_wait3A = arith.constant 0 : i32
      %dma_wait3A_17 = tpu.memref_slice %arg6[%arg0, %mul3A_12, %dma_wait3A] : memref<2x10240x128xf32, #tpu.memory_space<hbm>> -> memref<1x640x128xf32, #tpu.memory_space<hbm>>
      %dma_wait3A_18 = tpu.memref_squeeze %dma_wait3A_17 : memref<1x640x128xf32, #tpu.memory_space<hbm>> -> memref<640x128xf32, #tpu.memory_space<hbm>>
      %dma_wait3A_19 = arith.constant 0 : i32
      %dma_wait3A_20 = tpu.memref_slice %arg10[%mul3A_10, %dma_wait3A_19] : memref<10240x128xf32, #tpu.memory_space<vmem_shared>> -> memref<640x128xf32, #tpu.memory_space<vmem_shared>>
      tpu.wait_dma2 semaphore(%run_scoped3A : memref<!tpu.dma_semaphore, #tpu.memory_space<semaphore_mem>>) src(%dma_wait3A_20 : memref<640x128xf32, #tpu.memory_space<vmem_shared>>) dst(%dma_wait3A_18 : memref<640x128xf32, #tpu.memory_space<hbm>>)
      tpu.yield
    }) : () -> ()
    return
  }
}

module attributes {stable_mosaic.version = 14 : i64} {
  func.func @_tc1_body(%arg0: memref<2x10240x128xf32, #tpu.memory_space<vmem>>, %arg1: memref<10240x128xf32, #tpu.memory_space<vmem>>, %arg2: memref<3x256x256xf32, #tpu.memory_space<vmem>>, %arg3: memref<768x256xf32, #tpu.memory_space<vmem>>, %arg4: memref<10240x128xf32, #tpu.memory_space<vmem>>, %arg5: memref<10240x128xf32, #tpu.memory_space<vmem>>, %arg6: memref<3x256x768xf32, #tpu.memory_space<vmem>>) attributes {dimension_semantics = [], scalar_prefetch = 0 : i64, scratch_operands = 0 : i64, tpu.core_type = #tpu.core_type<tc>} {
    %get3A = arith.constant 0 : index
    %get3A_0 = arith.constant 0 : index
    %get3A_1 = arith.constant 0 : index
    %get3A_2 = vector.load %arg0[%get3A, %get3A_0, %get3A_1] : memref<2x10240x128xf32, #tpu.memory_space<vmem>>, vector<1x10240x1xf32>
    %get3A_3 = vector.shape_cast %get3A_2 : vector<1x10240x1xf32> to vector<10240x1xf32>
    %get3A_4 = arith.constant 1 : index
    %get3A_5 = arith.constant 0 : index
    %get3A_6 = arith.constant 0 : index
    %get3A_7 = vector.load %arg0[%get3A_4, %get3A_5, %get3A_6] : memref<2x10240x128xf32, #tpu.memory_space<vmem>>, vector<1x10240x1xf32>
    %get3A_8 = vector.shape_cast %get3A_7 : vector<1x10240x1xf32> to vector<10240x1xf32>
    %add3A = arith.addf %get3A_3, %get3A_8 : vector<10240x1xf32>
    %add3A_9 = arith.constant 1.000000e+00 : f32
    %add3A_10 = vector.broadcast %add3A_9 : f32 to vector<10240x1xf32>
    %add3A_11 = arith.addf %add3A, %add3A_10 : vector<10240x1xf32>
    %rsqrt3A = math.rsqrt %add3A_11 : vector<10240x1xf32>
    %broadcast_in_dim3A = vector.shape_cast %rsqrt3A : vector<10240x1xf32> to vector<10240x1xf32>
    %broadcast_in_dim3A_12 = vector.broadcast %broadcast_in_dim3A : vector<10240x1xf32> to vector<10240x128xf32>
    %swap3A = arith.constant 0 : index
    %swap3A_13 = arith.constant 0 : index
    %swap3A_14 = vector.load %arg5[%swap3A, %swap3A_13] : memref<10240x128xf32, #tpu.memory_space<vmem>>, vector<10240x128xf32>
    tpu.vector_store %arg5[%swap3A, %swap3A_13], %broadcast_in_dim3A_12 {strides = array<i32>} : memref<10240x128xf32, #tpu.memory_space<vmem>>, vector<10240x128xf32>,
    %get3A_15 = arith.constant 0 : index
    %get3A_16 = arith.constant 0 : index
    %get3A_17 = vector.load %arg1[%get3A_15, %get3A_16] : memref<10240x128xf32, #tpu.memory_space<vmem>>, vector<10240x128xf32>
    %mul3A = vector.broadcast %rsqrt3A : vector<10240x1xf32> to vector<10240x128xf32>
    %mul3A_18 = arith.mulf %get3A_17, %mul3A : vector<10240x128xf32>
    %swap3A_19 = arith.constant 0 : index
    %swap3A_20 = arith.constant 0 : index
    %swap3A_21 = vector.load %arg4[%swap3A_19, %swap3A_20] : memref<10240x128xf32, #tpu.memory_space<vmem>>, vector<10240x128xf32>
    tpu.vector_store %arg4[%swap3A_19, %swap3A_20], %mul3A_18 {strides = array<i32>} : memref<10240x128xf32, #tpu.memory_space<vmem>>, vector<10240x128xf32>,
    %get3A_22 = arith.constant 0 : index
    %get3A_23 = arith.constant 0 : index
    %get3A_24 = arith.constant 0 : index
    %get3A_25 = vector.load %arg2[%get3A_22, %get3A_23, %get3A_24] : memref<3x256x256xf32, #tpu.memory_space<vmem>>, vector<1x256x256xf32>
    %get3A_26 = vector.shape_cast %get3A_25 : vector<1x256x256xf32> to vector<256x256xf32>
    %get3A_27 = arith.constant 0 : index
    %get3A_28 = arith.constant 0 : index
    %get3A_29 = vector.load %arg3[%get3A_27, %get3A_28] : memref<768x256xf32, #tpu.memory_space<vmem>>, vector<768x256xf32>
    %dot_general3A = arith.constant dense<0.000000e+00> : vector<256x768xf32>
    %dot_general3A_30 = tpu.matmul %get3A_26, %get3A_29, %dot_general3A {dimension_numbers = #tpu.dot_dimension_numbers<[1], [1], [0], [0], [0, 0, 1, 0], [], []>, transpose_lhs_hint = false} : vector<256x256xf32>, vector<768x256xf32>, vector<256x768xf32> -> vector<256x768xf32>
    %swap3A_31 = arith.constant 0 : index
    %swap3A_32 = arith.constant 0 : index
    %swap3A_33 = arith.constant 0 : index
    %swap3A_34 = vector.load %arg6[%swap3A_31, %swap3A_32, %swap3A_33] : memref<3x256x768xf32, #tpu.memory_space<vmem>>, vector<1x256x768xf32>
    %swap3A_35 = vector.shape_cast %swap3A_34 : vector<1x256x768xf32> to vector<256x768xf32>
    %swap3A_36 = vector.shape_cast %dot_general3A_30 : vector<256x768xf32> to vector<1x256x768xf32>
    tpu.vector_store %arg6[%swap3A_31, %swap3A_32, %swap3A_33], %swap3A_36 {strides = array<i32>} : memref<3x256x768xf32, #tpu.memory_space<vmem>>, vector<1x256x768xf32>,
    %get3A_37 = arith.constant 1 : index
    %get3A_38 = arith.constant 0 : index
    %get3A_39 = arith.constant 0 : index
    %get3A_40 = vector.load %arg2[%get3A_37, %get3A_38, %get3A_39] : memref<3x256x256xf32, #tpu.memory_space<vmem>>, vector<1x256x256xf32>
    %get3A_41 = vector.shape_cast %get3A_40 : vector<1x256x256xf32> to vector<256x256xf32>
    %get3A_42 = arith.constant 0 : index
    %get3A_43 = arith.constant 0 : index
    %get3A_44 = vector.load %arg3[%get3A_42, %get3A_43] : memref<768x256xf32, #tpu.memory_space<vmem>>, vector<768x256xf32>
    %dot_general3A_45 = arith.constant dense<0.000000e+00> : vector<256x768xf32>
    %dot_general3A_46 = tpu.matmul %get3A_41, %get3A_44, %dot_general3A_45 {dimension_numbers = #tpu.dot_dimension_numbers<[1], [1], [0], [0], [0, 0, 1, 0], [], []>, transpose_lhs_hint = false} : vector<256x256xf32>, vector<768x256xf32>, vector<256x768xf32> -> vector<256x768xf32>
    %swap3A_47 = arith.constant 1 : index
    %swap3A_48 = arith.constant 0 : index
    %swap3A_49 = arith.constant 0 : index
    %swap3A_50 = vector.load %arg6[%swap3A_47, %swap3A_48, %swap3A_49] : memref<3x256x768xf32, #tpu.memory_space<vmem>>, vector<1x256x768xf32>
    %swap3A_51 = vector.shape_cast %swap3A_50 : vector<1x256x768xf32> to vector<256x768xf32>
    %swap3A_52 = vector.shape_cast %dot_general3A_46 : vector<256x768xf32> to vector<1x256x768xf32>
    tpu.vector_store %arg6[%swap3A_47, %swap3A_48, %swap3A_49], %swap3A_52 {strides = array<i32>} : memref<3x256x768xf32, #tpu.memory_space<vmem>>, vector<1x256x768xf32>,
    %get3A_53 = arith.constant 2 : index
    %get3A_54 = arith.constant 0 : index
    %get3A_55 = arith.constant 0 : index
    %get3A_56 = vector.load %arg2[%get3A_53, %get3A_54, %get3A_55] : memref<3x256x256xf32, #tpu.memory_space<vmem>>, vector<1x256x256xf32>
    %get3A_57 = vector.shape_cast %get3A_56 : vector<1x256x256xf32> to vector<256x256xf32>
    %get3A_58 = arith.constant 0 : index
    %get3A_59 = arith.constant 0 : index
    %get3A_60 = vector.load %arg3[%get3A_58, %get3A_59] : memref<768x256xf32, #tpu.memory_space<vmem>>, vector<768x256xf32>
    %dot_general3A_61 = arith.constant dense<0.000000e+00> : vector<256x768xf32>
    %dot_general3A_62 = tpu.matmul %get3A_57, %get3A_60, %dot_general3A_61 {dimension_numbers = #tpu.dot_dimension_numbers<[1], [1], [0], [0], [0, 0, 1, 0], [], []>, transpose_lhs_hint = false} : vector<256x256xf32>, vector<768x256xf32>, vector<256x768xf32> -> vector<256x768xf32>
    %swap3A_63 = arith.constant 2 : index
    %swap3A_64 = arith.constant 0 : index
    %swap3A_65 = arith.constant 0 : index
    %swap3A_66 = vector.load %arg6[%swap3A_63, %swap3A_64, %swap3A_65] : memref<3x256x768xf32, #tpu.memory_space<vmem>>, vector<1x256x768xf32>
    %swap3A_67 = vector.shape_cast %swap3A_66 : vector<1x256x768xf32> to vector<256x768xf32>
    %swap3A_68 = vector.shape_cast %dot_general3A_62 : vector<256x768xf32> to vector<1x256x768xf32>
    tpu.vector_store %arg6[%swap3A_63, %swap3A_64, %swap3A_65], %swap3A_68 {strides = array<i32>} : memref<3x256x768xf32, #tpu.memory_space<vmem>>, vector<1x256x768xf32>,
    return
  }
}

module attributes {stable_mosaic.version = 14 : i64} {
  func.func @_tc2_body(%arg0: i32, %arg1: memref<512x128xf32, #tpu.memory_space<vmem>>, %arg2: memref<512x128xf32, #tpu.memory_space<vmem>>, %arg3: memref<512x128xf32, #tpu.memory_space<vmem>>, %arg4: memref<512x128xf32, #tpu.memory_space<vmem>>, %arg5: memref<128x256xf32, #tpu.memory_space<vmem>>, %arg6: memref<1x256xf32, #tpu.memory_space<vmem>>, %arg7: memref<768x256xf32, #tpu.memory_space<vmem>>, %arg8: memref<1x768xf32, #tpu.memory_space<vmem>>, %arg9: memref<512x256xf32, #tpu.memory_space<vmem>>, %arg10: memref<512x768xf32, #tpu.memory_space<vmem>>) attributes {dimension_semantics = [#tpu.dimension_semantics<arbitrary>], iteration_bounds = array<i64: 20>, scalar_prefetch = 0 : i64, scratch_operands = 0 : i64, tpu.core_type = #tpu.core_type<tc>, window_params = [{transform_indices = @transform_0, window_bounds = array<i64: 512, 128>}, {transform_indices = @transform_1, window_bounds = array<i64: 512, 128>}, {transform_indices = @transform_2, window_bounds = array<i64: 512, 128>}, {transform_indices = @transform_3, window_bounds = array<i64: 512, 128>}, {pipeline_mode = #tpu.pipeline_mode<synchronous>, transform_indices = @transform_4, window_bounds = array<i64: 128, 256>}, {pipeline_mode = #tpu.pipeline_mode<synchronous>, transform_indices = @transform_5, window_bounds = array<i64: 1, 256>}, {pipeline_mode = #tpu.pipeline_mode<synchronous>, transform_indices = @transform_6, window_bounds = array<i64: 768, 256>}, {pipeline_mode = #tpu.pipeline_mode<synchronous>, transform_indices = @transform_7, window_bounds = array<i64: 1, 768>}, {transform_indices = @transform_8, window_bounds = array<i64: 512, 256>}, {transform_indices = @transform_9, window_bounds = array<i64: 512, 768>}]} {
    %get3A = arith.constant 0 : index
    %get3A_0 = arith.constant 0 : index
    %get3A_1 = vector.load %arg1[%get3A, %get3A_0] : memref<512x128xf32, #tpu.memory_space<vmem>>, vector<512x128xf32>
    %get3A_2 = arith.constant 0 : index
    %get3A_3 = arith.constant 0 : index
    %get3A_4 = vector.load %arg2[%get3A_2, %get3A_3] : memref<512x128xf32, #tpu.memory_space<vmem>>, vector<512x128xf32>
    %add3A = arith.addf %get3A_1, %get3A_4 : vector<512x128xf32>
    %get3A_5 = arith.constant 0 : index
    %get3A_6 = arith.constant 0 : index
    %get3A_7 = vector.load %arg3[%get3A_5, %get3A_6] : memref<512x128xf32, #tpu.memory_space<vmem>>, vector<512x128xf32>
    %add3A_8 = arith.addf %add3A, %get3A_7 : vector<512x128xf32>
    %get3A_9 = arith.constant 0 : index
    %get3A_10 = arith.constant 0 : index
    %get3A_11 = vector.load %arg5[%get3A_9, %get3A_10] : memref<128x256xf32, #tpu.memory_space<vmem>>, vector<128x256xf32>
    %dot_general3A = arith.constant dense<0.000000e+00> : vector<512x256xf32>
    %dot_general3A_12 = tpu.matmul %add3A_8, %get3A_11, %dot_general3A {dimension_numbers = #tpu.dot_dimension_numbers<[1], [0], [0], [1], [0, 0, 1, 1], [], []>, transpose_lhs_hint = false} : vector<512x128xf32>, vector<128x256xf32>, vector<512x256xf32> -> vector<512x256xf32>
    %get3A_13 = arith.constant 0 : index
    %get3A_14 = arith.constant 0 : index
    %get3A_15 = vector.load %arg4[%get3A_13, %get3A_14] : memref<512x128xf32, #tpu.memory_space<vmem>>, vector<512x1xf32>
    %mul3A = vector.broadcast %get3A_15 : vector<512x1xf32> to vector<512x256xf32>
    %mul3A_16 = arith.mulf %mul3A, %dot_general3A_12 : vector<512x256xf32>
    %get3A_17 = arith.constant 0 : index
    %get3A_18 = arith.constant 0 : index
    %get3A_19 = vector.load %arg6[%get3A_17, %get3A_18] : memref<1x256xf32, #tpu.memory_space<vmem>>, vector<1x256xf32>
    %add3A_20 = vector.broadcast %get3A_19 : vector<1x256xf32> to vector<512x256xf32>
    %add3A_21 = arith.addf %mul3A_16, %add3A_20 : vector<512x256xf32>
    %ge3A = arith.constant 0.000000e+00 : f32
    %ge3A_22 = vector.broadcast %ge3A : f32 to vector<512x256xf32>
    %ge3A_23 = arith.cmpf oge, %add3A_21, %ge3A_22 : vector<512x256xf32>
    %mul3A_24 = arith.constant 0.00999999977 : f32
    %mul3A_25 = vector.broadcast %mul3A_24 : f32 to vector<512x256xf32>
    %mul3A_26 = arith.mulf %mul3A_25, %add3A_21 : vector<512x256xf32>
    %select_n3A = arith.select %ge3A_23, %add3A_21, %mul3A_26 : vector<512x256xi1>, vector<512x256xf32>
    %swap3A = arith.constant 0 : index
    %swap3A_27 = arith.constant 0 : index
    %swap3A_28 = vector.load %arg9[%swap3A, %swap3A_27] : memref<512x256xf32, #tpu.memory_space<vmem>>, vector<512x256xf32>
    tpu.vector_store %arg9[%swap3A, %swap3A_27], %select_n3A {strides = array<i32>} : memref<512x256xf32, #tpu.memory_space<vmem>>, vector<512x256xf32>,
    %get3A_29 = arith.constant 0 : index
    %get3A_30 = arith.constant 0 : index
    %get3A_31 = vector.load %arg7[%get3A_29, %get3A_30] : memref<768x256xf32, #tpu.memory_space<vmem>>, vector<768x256xf32>
    %dot_general3A_32 = arith.constant dense<0.000000e+00> : vector<512x768xf32>
    %dot_general3A_33 = tpu.matmul %select_n3A, %get3A_31, %dot_general3A_32 {dimension_numbers = #tpu.dot_dimension_numbers<[1], [1], [0], [0], [0, 0, 1, 0], [], []>, transpose_lhs_hint = false} : vector<512x256xf32>, vector<768x256xf32>, vector<512x768xf32> -> vector<512x768xf32>
    %get3A_34 = arith.constant 0 : index
    %get3A_35 = arith.constant 0 : index
    %get3A_36 = vector.load %arg8[%get3A_34, %get3A_35] : memref<1x768xf32, #tpu.memory_space<vmem>>, vector<1x768xf32>
    %add3A_37 = vector.broadcast %get3A_36 : vector<1x768xf32> to vector<512x768xf32>
    %add3A_38 = arith.addf %dot_general3A_33, %add3A_37 : vector<512x768xf32>
    %swap3A_39 = arith.constant 0 : index
    %swap3A_40 = arith.constant 0 : index
    %swap3A_41 = vector.load %arg10[%swap3A_39, %swap3A_40] : memref<512x768xf32, #tpu.memory_space<vmem>>, vector<512x768xf32>
    tpu.vector_store %arg10[%swap3A_39, %swap3A_40], %add3A_38 {strides = array<i32>} : memref<512x768xf32, #tpu.memory_space<vmem>>, vector<512x768xf32>,
    return
  }
  func.func @transform_0(%arg0: i32) -> (i32, i32) {
    %c0_i32 = arith.constant 0 : i32
    %c0_i32_0 = arith.constant 0 : i32
    return %arg0, %c0_i32 : i32, i32
  }
  func.func @transform_1(%arg0: i32) -> (i32, i32) {
    %c0_i32 = arith.constant 0 : i32
    %c0_i32_0 = arith.constant 0 : i32
    return %arg0, %c0_i32 : i32, i32
  }
  func.func @transform_2(%arg0: i32) -> (i32, i32) {
    %c0_i32 = arith.constant 0 : i32
    %c0_i32_0 = arith.constant 0 : i32
    return %arg0, %c0_i32 : i32, i32
  }
  func.func @transform_3(%arg0: i32) -> (i32, i32) {
    %c0_i32 = arith.constant 0 : i32
    %c0_i32_0 = arith.constant 0 : i32
    return %arg0, %c0_i32 : i32, i32
  }
  func.func @transform_4(%arg0: i32) -> (i32, i32) {
    %c0_i32 = arith.constant 0 : i32
    %c0_i32_0 = arith.constant 0 : i32
    %c0_i32_1 = arith.constant 0 : i32
    return %c0_i32, %c0_i32_0 : i32, i32
  }
  func.func @transform_5(%arg0: i32) -> (i32, i32) {
    %c0_i32 = arith.constant 0 : i32
    %c0_i32_0 = arith.constant 0 : i32
    %c0_i32_1 = arith.constant 0 : i32
    return %c0_i32, %c0_i32_0 : i32, i32
  }
  func.func @transform_6(%arg0: i32) -> (i32, i32) {
    %c0_i32 = arith.constant 0 : i32
    %c0_i32_0 = arith.constant 0 : i32
    %c0_i32_1 = arith.constant 0 : i32
    return %c0_i32, %c0_i32_0 : i32, i32
  }
  func.func @transform_7(%arg0: i32) -> (i32, i32) {
    %c0_i32 = arith.constant 0 : i32
    %c0_i32_0 = arith.constant 0 : i32
    %c0_i32_1 = arith.constant 0 : i32
    return %c0_i32, %c0_i32_0 : i32, i32
  }
  func.func @transform_8(%arg0: i32) -> (i32, i32) {
    %c0_i32 = arith.constant 0 : i32
    %c0_i32_0 = arith.constant 0 : i32
    return %arg0, %c0_i32 : i32, i32
  }
  func.func @transform_9(%arg0: i32) -> (i32, i32) {
    %c0_i32 = arith.constant 0 : i32
    %c0_i32_0 = arith.constant 0 : i32
    return %arg0, %c0_i32 : i32, i32
  }
}

module attributes {stable_mosaic.version = 14 : i64} {
  func.func @_tc3_mid_body(%arg0: i32, %arg1: memref<512x128xf32, #tpu.memory_space<vmem>>, %arg2: memref<512x128xf32, #tpu.memory_space<vmem>>, %arg3: memref<512x768xf32, #tpu.memory_space<vmem>>, %arg4: memref<512x256xf32, #tpu.memory_space<vmem>>, %arg5: memref<256x768xf32, #tpu.memory_space<vmem>>, %arg6: memref<1x768xf32, #tpu.memory_space<vmem>>, %arg7: memref<768x256xf32, #tpu.memory_space<vmem>>, %arg8: memref<1x768xf32, #tpu.memory_space<vmem>>, %arg9: memref<512x256xf32, #tpu.memory_space<vmem>>, %arg10: memref<512x768xf32, #tpu.memory_space<vmem>>) attributes {dimension_semantics = [#tpu.dimension_semantics<arbitrary>], iteration_bounds = array<i64: 20>, scalar_prefetch = 0 : i64, scratch_operands = 0 : i64, tpu.core_type = #tpu.core_type<tc>, window_params = [{transform_indices = @transform_0, window_bounds = array<i64: 512, 128>}, {transform_indices = @transform_1, window_bounds = array<i64: 512, 128>}, {transform_indices = @transform_2, window_bounds = array<i64: 512, 768>}, {transform_indices = @transform_3, window_bounds = array<i64: 512, 256>}, {pipeline_mode = #tpu.pipeline_mode<synchronous>, transform_indices = @transform_4, window_bounds = array<i64: 256, 768>}, {pipeline_mode = #tpu.pipeline_mode<synchronous>, transform_indices = @transform_5, window_bounds = array<i64: 1, 768>}, {pipeline_mode = #tpu.pipeline_mode<synchronous>, transform_indices = @transform_6, window_bounds = array<i64: 768, 256>}, {pipeline_mode = #tpu.pipeline_mode<synchronous>, transform_indices = @transform_7, window_bounds = array<i64: 1, 768>}, {transform_indices = @transform_8, window_bounds = array<i64: 512, 256>}, {transform_indices = @transform_9, window_bounds = array<i64: 512, 768>}]} {
    %get3A = arith.constant 0 : index
    %get3A_0 = arith.constant 0 : index
    %get3A_1 = vector.load %arg5[%get3A, %get3A_0] : memref<256x768xf32, #tpu.memory_space<vmem>>, vector<256x768xf32>
    %get3A_2 = arith.constant 0 : index
    %get3A_3 = arith.constant 0 : index
    %get3A_4 = vector.load %arg1[%get3A_2, %get3A_3] : memref<512x128xf32, #tpu.memory_space<vmem>>, vector<512x128xf32>
    %slice3A = vector.extract_strided_slice %get3A_1 {offsets = [0, 0], sizes = [128, 768], strides = [1, 1]} : vector<256x768xf32> to vector<128x768xf32>
    %dot_general3A = arith.constant dense<0.000000e+00> : vector<512x768xf32>
    %dot_general3A_5 = tpu.matmul %get3A_4, %slice3A, %dot_general3A {dimension_numbers = #tpu.dot_dimension_numbers<[1], [0], [0], [1], [0, 0, 1, 1], [], []>, transpose_lhs_hint = false} : vector<512x128xf32>, vector<128x768xf32>, vector<512x768xf32> -> vector<512x768xf32>
    %get3A_6 = arith.constant 0 : index
    %get3A_7 = arith.constant 0 : index
    %get3A_8 = vector.load %arg2[%get3A_6, %get3A_7] : memref<512x128xf32, #tpu.memory_space<vmem>>, vector<512x128xf32>
    %slice3A_9 = vector.extract_strided_slice %get3A_1 {offsets = [128, 0], sizes = [128, 768], strides = [1, 1]} : vector<256x768xf32> to vector<128x768xf32>
    %dot_general3A_10 = arith.constant dense<0.000000e+00> : vector<512x768xf32>
    %dot_general3A_11 = tpu.matmul %get3A_8, %slice3A_9, %dot_general3A_10 {dimension_numbers = #tpu.dot_dimension_numbers<[1], [0], [0], [1], [0, 0, 1, 1], [], []>, transpose_lhs_hint = false} : vector<512x128xf32>, vector<128x768xf32>, vector<512x768xf32> -> vector<512x768xf32>
    %add3A = arith.addf %dot_general3A_5, %dot_general3A_11 : vector<512x768xf32>
    %get3A_12 = arith.constant 0 : index
    %get3A_13 = arith.constant 0 : index
    %get3A_14 = vector.load %arg6[%get3A_12, %get3A_13] : memref<1x768xf32, #tpu.memory_space<vmem>>, vector<1x768xf32>
    %add3A_15 = vector.broadcast %get3A_14 : vector<1x768xf32> to vector<512x768xf32>
    %add3A_16 = arith.addf %add3A, %add3A_15 : vector<512x768xf32>
    %get3A_17 = arith.constant 0 : index
    %get3A_18 = arith.constant 0 : index
    %get3A_19 = vector.load %arg3[%get3A_17, %get3A_18] : memref<512x768xf32, #tpu.memory_space<vmem>>, vector<512x768xf32>
    %slice3A_20 = vector.extract_strided_slice %add3A_16 {offsets = [0, 0], sizes = [512, 256], strides = [1, 1]} : vector<512x768xf32> to vector<512x256xf32>
    %slice3A_21 = vector.extract_strided_slice %get3A_19 {offsets = [0, 0], sizes = [512, 256], strides = [1, 1]} : vector<512x768xf32> to vector<512x256xf32>
    %add3A_22 = arith.addf %slice3A_20, %slice3A_21 : vector<512x256xf32>
    %logistic3A = arith.negf %add3A_22 : vector<512x256xf32>
    %logistic3A_23 = math.exp %logistic3A : vector<512x256xf32>
    %logistic3A_24 = arith.constant 1.000000e+00 : f32
    %logistic3A_25 = vector.broadcast %logistic3A_24 : f32 to vector<512x256xf32>
    %logistic3A_26 = arith.addf %logistic3A_25, %logistic3A_23 : vector<512x256xf32>
    %logistic3A_27 = arith.divf %logistic3A_25, %logistic3A_26 : vector<512x256xf32>
    %slice3A_28 = vector.extract_strided_slice %add3A_16 {offsets = [0, 256], sizes = [512, 256], strides = [1, 1]} : vector<512x768xf32> to vector<512x256xf32>
    %slice3A_29 = vector.extract_strided_slice %get3A_19 {offsets = [0, 256], sizes = [512, 256], strides = [1, 1]} : vector<512x768xf32> to vector<512x256xf32>
    %add3A_30 = arith.addf %slice3A_28, %slice3A_29 : vector<512x256xf32>
    %logistic3A_31 = arith.negf %add3A_30 : vector<512x256xf32>
    %logistic3A_32 = math.exp %logistic3A_31 : vector<512x256xf32>
    %logistic3A_33 = arith.constant 1.000000e+00 : f32
    %logistic3A_34 = vector.broadcast %logistic3A_33 : f32 to vector<512x256xf32>
    %logistic3A_35 = arith.addf %logistic3A_34, %logistic3A_32 : vector<512x256xf32>
    %logistic3A_36 = arith.divf %logistic3A_34, %logistic3A_35 : vector<512x256xf32>
    %slice3A_37 = vector.extract_strided_slice %add3A_16 {offsets = [0, 512], sizes = [512, 256], strides = [1, 1]} : vector<512x768xf32> to vector<512x256xf32>
    %slice3A_38 = vector.extract_strided_slice %get3A_19 {offsets = [0, 512], sizes = [512, 256], strides = [1, 1]} : vector<512x768xf32> to vector<512x256xf32>
    %mul3A = arith.mulf %logistic3A_27, %slice3A_38 : vector<512x256xf32>
    %add3A_39 = arith.addf %slice3A_37, %mul3A : vector<512x256xf32>
    %tanh3A = math.tanh %add3A_39 : vector<512x256xf32>
    %sub3A = arith.constant 1.000000e+00 : f32
    %sub3A_40 = vector.broadcast %sub3A : f32 to vector<512x256xf32>
    %sub3A_41 = arith.subf %sub3A_40, %logistic3A_36 : vector<512x256xf32>
    %mul3A_42 = arith.mulf %sub3A_41, %tanh3A : vector<512x256xf32>
    %get3A_43 = arith.constant 0 : index
    %get3A_44 = arith.constant 0 : index
    %get3A_45 = vector.load %arg4[%get3A_43, %get3A_44] : memref<512x256xf32, #tpu.memory_space<vmem>>, vector<512x256xf32>
    %mul3A_46 = arith.mulf %logistic3A_36, %get3A_45 : vector<512x256xf32>
    %add3A_47 = arith.addf %mul3A_42, %mul3A_46 : vector<512x256xf32>
    %swap3A = arith.constant 0 : index
    %swap3A_48 = arith.constant 0 : index
    %swap3A_49 = vector.load %arg9[%swap3A, %swap3A_48] : memref<512x256xf32, #tpu.memory_space<vmem>>, vector<512x256xf32>
    tpu.vector_store %arg9[%swap3A, %swap3A_48], %add3A_47 {strides = array<i32>} : memref<512x256xf32, #tpu.memory_space<vmem>>, vector<512x256xf32>,
    %get3A_50 = arith.constant 0 : index
    %get3A_51 = arith.constant 0 : index
    %get3A_52 = vector.load %arg7[%get3A_50, %get3A_51] : memref<768x256xf32, #tpu.memory_space<vmem>>, vector<768x256xf32>
    %dot_general3A_53 = arith.constant dense<0.000000e+00> : vector<512x768xf32>
    %dot_general3A_54 = tpu.matmul %add3A_47, %get3A_52, %dot_general3A_53 {dimension_numbers = #tpu.dot_dimension_numbers<[1], [1], [0], [0], [0, 0, 1, 0], [], []>, transpose_lhs_hint = false} : vector<512x256xf32>, vector<768x256xf32>, vector<512x768xf32> -> vector<512x768xf32>
    %get3A_55 = arith.constant 0 : index
    %get3A_56 = arith.constant 0 : index
    %get3A_57 = vector.load %arg8[%get3A_55, %get3A_56] : memref<1x768xf32, #tpu.memory_space<vmem>>, vector<1x768xf32>
    %add3A_58 = vector.broadcast %get3A_57 : vector<1x768xf32> to vector<512x768xf32>
    %add3A_59 = arith.addf %dot_general3A_54, %add3A_58 : vector<512x768xf32>
    %swap3A_60 = arith.constant 0 : index
    %swap3A_61 = arith.constant 0 : index
    %swap3A_62 = vector.load %arg10[%swap3A_60, %swap3A_61] : memref<512x768xf32, #tpu.memory_space<vmem>>, vector<512x768xf32>
    tpu.vector_store %arg10[%swap3A_60, %swap3A_61], %add3A_59 {strides = array<i32>} : memref<512x768xf32, #tpu.memory_space<vmem>>, vector<512x768xf32>,
    return
  }
  func.func @transform_0(%arg0: i32) -> (i32, i32) {
    %c0_i32 = arith.constant 0 : i32
    %c0_i32_0 = arith.constant 0 : i32
    return %arg0, %c0_i32 : i32, i32
  }
  func.func @transform_1(%arg0: i32) -> (i32, i32) {
    %c0_i32 = arith.constant 0 : i32
    %c0_i32_0 = arith.constant 0 : i32
    return %arg0, %c0_i32 : i32, i32
  }
  func.func @transform_2(%arg0: i32) -> (i32, i32) {
    %c0_i32 = arith.constant 0 : i32
    %c0_i32_0 = arith.constant 0 : i32
    return %arg0, %c0_i32 : i32, i32
  }
  func.func @transform_3(%arg0: i32) -> (i32, i32) {
    %c0_i32 = arith.constant 0 : i32
    %c0_i32_0 = arith.constant 0 : i32
    return %arg0, %c0_i32 : i32, i32
  }
  func.func @transform_4(%arg0: i32) -> (i32, i32) {
    %c0_i32 = arith.constant 0 : i32
    %c0_i32_0 = arith.constant 0 : i32
    %c0_i32_1 = arith.constant 0 : i32
    return %c0_i32, %c0_i32_0 : i32, i32
  }
  func.func @transform_5(%arg0: i32) -> (i32, i32) {
    %c0_i32 = arith.constant 0 : i32
    %c0_i32_0 = arith.constant 0 : i32
    %c0_i32_1 = arith.constant 0 : i32
    return %c0_i32, %c0_i32_0 : i32, i32
  }
  func.func @transform_6(%arg0: i32) -> (i32, i32) {
    %c0_i32 = arith.constant 0 : i32
    %c0_i32_0 = arith.constant 0 : i32
    %c0_i32_1 = arith.constant 0 : i32
    return %c0_i32, %c0_i32_0 : i32, i32
  }
  func.func @transform_7(%arg0: i32) -> (i32, i32) {
    %c0_i32 = arith.constant 0 : i32
    %c0_i32_0 = arith.constant 0 : i32
    %c0_i32_1 = arith.constant 0 : i32
    return %c0_i32, %c0_i32_0 : i32, i32
  }
  func.func @transform_8(%arg0: i32) -> (i32, i32) {
    %c0_i32 = arith.constant 0 : i32
    %c0_i32_0 = arith.constant 0 : i32
    return %arg0, %c0_i32 : i32, i32
  }
  func.func @transform_9(%arg0: i32) -> (i32, i32) {
    %c0_i32 = arith.constant 0 : i32
    %c0_i32_0 = arith.constant 0 : i32
    return %arg0, %c0_i32 : i32, i32
  }
}

module attributes {stable_mosaic.version = 14 : i64} {
  func.func @_tc3_last_body(%arg0: i32, %arg1: memref<512x128xf32, #tpu.memory_space<vmem>>, %arg2: memref<512x128xf32, #tpu.memory_space<vmem>>, %arg3: memref<512x768xf32, #tpu.memory_space<vmem>>, %arg4: memref<512x256xf32, #tpu.memory_space<vmem>>, %arg5: memref<256x768xf32, #tpu.memory_space<vmem>>, %arg6: memref<1x768xf32, #tpu.memory_space<vmem>>, %arg7: memref<512x256xf32, #tpu.memory_space<vmem>>, %arg8: memref<256x256xf32, #tpu.memory_space<vmem>>, %arg9: memref<1x256xf32, #tpu.memory_space<vmem>>, %arg10: memref<512x256xf32, #tpu.memory_space<vmem>>) attributes {dimension_semantics = [#tpu.dimension_semantics<arbitrary>], iteration_bounds = array<i64: 20>, scalar_prefetch = 0 : i64, scratch_operands = 0 : i64, tpu.core_type = #tpu.core_type<tc>, window_params = [{transform_indices = @transform_0, window_bounds = array<i64: 512, 128>}, {transform_indices = @transform_1, window_bounds = array<i64: 512, 128>}, {transform_indices = @transform_2, window_bounds = array<i64: 512, 768>}, {transform_indices = @transform_3, window_bounds = array<i64: 512, 256>}, {pipeline_mode = #tpu.pipeline_mode<synchronous>, transform_indices = @transform_4, window_bounds = array<i64: 256, 768>}, {pipeline_mode = #tpu.pipeline_mode<synchronous>, transform_indices = @transform_5, window_bounds = array<i64: 1, 768>}, {transform_indices = @transform_6, window_bounds = array<i64: 512, 256>}, {pipeline_mode = #tpu.pipeline_mode<synchronous>, transform_indices = @transform_7, window_bounds = array<i64: 256, 256>}, {pipeline_mode = #tpu.pipeline_mode<synchronous>, transform_indices = @transform_8, window_bounds = array<i64: 1, 256>}, {transform_indices = @transform_9, window_bounds = array<i64: 512, 256>}]} {
    %get3A = arith.constant 0 : index
    %get3A_0 = arith.constant 0 : index
    %get3A_1 = vector.load %arg5[%get3A, %get3A_0] : memref<256x768xf32, #tpu.memory_space<vmem>>, vector<256x768xf32>
    %get3A_2 = arith.constant 0 : index
    %get3A_3 = arith.constant 0 : index
    %get3A_4 = vector.load %arg1[%get3A_2, %get3A_3] : memref<512x128xf32, #tpu.memory_space<vmem>>, vector<512x128xf32>
    %slice3A = vector.extract_strided_slice %get3A_1 {offsets = [0, 0], sizes = [128, 768], strides = [1, 1]} : vector<256x768xf32> to vector<128x768xf32>
    %dot_general3A = arith.constant dense<0.000000e+00> : vector<512x768xf32>
    %dot_general3A_5 = tpu.matmul %get3A_4, %slice3A, %dot_general3A {dimension_numbers = #tpu.dot_dimension_numbers<[1], [0], [0], [1], [0, 0, 1, 1], [], []>, transpose_lhs_hint = false} : vector<512x128xf32>, vector<128x768xf32>, vector<512x768xf32> -> vector<512x768xf32>
    %get3A_6 = arith.constant 0 : index
    %get3A_7 = arith.constant 0 : index
    %get3A_8 = vector.load %arg2[%get3A_6, %get3A_7] : memref<512x128xf32, #tpu.memory_space<vmem>>, vector<512x128xf32>
    %slice3A_9 = vector.extract_strided_slice %get3A_1 {offsets = [128, 0], sizes = [128, 768], strides = [1, 1]} : vector<256x768xf32> to vector<128x768xf32>
    %dot_general3A_10 = arith.constant dense<0.000000e+00> : vector<512x768xf32>
    %dot_general3A_11 = tpu.matmul %get3A_8, %slice3A_9, %dot_general3A_10 {dimension_numbers = #tpu.dot_dimension_numbers<[1], [0], [0], [1], [0, 0, 1, 1], [], []>, transpose_lhs_hint = false} : vector<512x128xf32>, vector<128x768xf32>, vector<512x768xf32> -> vector<512x768xf32>
    %add3A = arith.addf %dot_general3A_5, %dot_general3A_11 : vector<512x768xf32>
    %get3A_12 = arith.constant 0 : index
    %get3A_13 = arith.constant 0 : index
    %get3A_14 = vector.load %arg6[%get3A_12, %get3A_13] : memref<1x768xf32, #tpu.memory_space<vmem>>, vector<1x768xf32>
    %add3A_15 = vector.broadcast %get3A_14 : vector<1x768xf32> to vector<512x768xf32>
    %add3A_16 = arith.addf %add3A, %add3A_15 : vector<512x768xf32>
    %get3A_17 = arith.constant 0 : index
    %get3A_18 = arith.constant 0 : index
    %get3A_19 = vector.load %arg3[%get3A_17, %get3A_18] : memref<512x768xf32, #tpu.memory_space<vmem>>, vector<512x768xf32>
    %slice3A_20 = vector.extract_strided_slice %add3A_16 {offsets = [0, 0], sizes = [512, 256], strides = [1, 1]} : vector<512x768xf32> to vector<512x256xf32>
    %slice3A_21 = vector.extract_strided_slice %get3A_19 {offsets = [0, 0], sizes = [512, 256], strides = [1, 1]} : vector<512x768xf32> to vector<512x256xf32>
    %add3A_22 = arith.addf %slice3A_20, %slice3A_21 : vector<512x256xf32>
    %logistic3A = arith.negf %add3A_22 : vector<512x256xf32>
    %logistic3A_23 = math.exp %logistic3A : vector<512x256xf32>
    %logistic3A_24 = arith.constant 1.000000e+00 : f32
    %logistic3A_25 = vector.broadcast %logistic3A_24 : f32 to vector<512x256xf32>
    %logistic3A_26 = arith.addf %logistic3A_25, %logistic3A_23 : vector<512x256xf32>
    %logistic3A_27 = arith.divf %logistic3A_25, %logistic3A_26 : vector<512x256xf32>
    %slice3A_28 = vector.extract_strided_slice %add3A_16 {offsets = [0, 256], sizes = [512, 256], strides = [1, 1]} : vector<512x768xf32> to vector<512x256xf32>
    %slice3A_29 = vector.extract_strided_slice %get3A_19 {offsets = [0, 256], sizes = [512, 256], strides = [1, 1]} : vector<512x768xf32> to vector<512x256xf32>
    %add3A_30 = arith.addf %slice3A_28, %slice3A_29 : vector<512x256xf32>
    %logistic3A_31 = arith.negf %add3A_30 : vector<512x256xf32>
    %logistic3A_32 = math.exp %logistic3A_31 : vector<512x256xf32>
    %logistic3A_33 = arith.constant 1.000000e+00 : f32
    %logistic3A_34 = vector.broadcast %logistic3A_33 : f32 to vector<512x256xf32>
    %logistic3A_35 = arith.addf %logistic3A_34, %logistic3A_32 : vector<512x256xf32>
    %logistic3A_36 = arith.divf %logistic3A_34, %logistic3A_35 : vector<512x256xf32>
    %slice3A_37 = vector.extract_strided_slice %add3A_16 {offsets = [0, 512], sizes = [512, 256], strides = [1, 1]} : vector<512x768xf32> to vector<512x256xf32>
    %slice3A_38 = vector.extract_strided_slice %get3A_19 {offsets = [0, 512], sizes = [512, 256], strides = [1, 1]} : vector<512x768xf32> to vector<512x256xf32>
    %mul3A = arith.mulf %logistic3A_27, %slice3A_38 : vector<512x256xf32>
    %add3A_39 = arith.addf %slice3A_37, %mul3A : vector<512x256xf32>
    %tanh3A = math.tanh %add3A_39 : vector<512x256xf32>
    %sub3A = arith.constant 1.000000e+00 : f32
    %sub3A_40 = vector.broadcast %sub3A : f32 to vector<512x256xf32>
    %sub3A_41 = arith.subf %sub3A_40, %logistic3A_36 : vector<512x256xf32>
    %mul3A_42 = arith.mulf %sub3A_41, %tanh3A : vector<512x256xf32>
    %get3A_43 = arith.constant 0 : index
    %get3A_44 = arith.constant 0 : index
    %get3A_45 = vector.load %arg4[%get3A_43, %get3A_44] : memref<512x256xf32, #tpu.memory_space<vmem>>, vector<512x256xf32>
    %mul3A_46 = arith.mulf %logistic3A_36, %get3A_45 : vector<512x256xf32>
    %add3A_47 = arith.addf %mul3A_42, %mul3A_46 : vector<512x256xf32>
    %ge3A = arith.constant 0.000000e+00 : f32
    %ge3A_48 = vector.broadcast %ge3A : f32 to vector<512x256xf32>
    %ge3A_49 = arith.cmpf oge, %add3A_47, %ge3A_48 : vector<512x256xf32>
    %mul3A_50 = arith.constant 0.00999999977 : f32
    %mul3A_51 = vector.broadcast %mul3A_50 : f32 to vector<512x256xf32>
    %mul3A_52 = arith.mulf %mul3A_51, %add3A_47 : vector<512x256xf32>
    %select_n3A = arith.select %ge3A_49, %add3A_47, %mul3A_52 : vector<512x256xi1>, vector<512x256xf32>
    %get3A_53 = arith.constant 0 : index
    %get3A_54 = arith.constant 0 : index
    %get3A_55 = vector.load %arg7[%get3A_53, %get3A_54] : memref<512x256xf32, #tpu.memory_space<vmem>>, vector<512x256xf32>
    %add3A_56 = arith.addf %select_n3A, %get3A_55 : vector<512x256xf32>
    %get3A_57 = arith.constant 0 : index
    %get3A_58 = arith.constant 0 : index
    %get3A_59 = vector.load %arg8[%get3A_57, %get3A_58] : memref<256x256xf32, #tpu.memory_space<vmem>>, vector<256x256xf32>
    %dot_general3A_60 = arith.constant dense<0.000000e+00> : vector<512x256xf32>
    %dot_general3A_61 = tpu.matmul %add3A_56, %get3A_59, %dot_general3A_60 {dimension_numbers = #tpu.dot_dimension_numbers<[1], [0], [0], [1], [0, 0, 1, 1], [], []>, transpose_lhs_hint = false} : vector<512x256xf32>, vector<256x256xf32>, vector<512x256xf32> -> vector<512x256xf32>
    %get3A_62 = arith.constant 0 : index
    %get3A_63 = arith.constant 0 : index
    %get3A_64 = vector.load %arg9[%get3A_62, %get3A_63] : memref<1x256xf32, #tpu.memory_space<vmem>>, vector<1x256xf32>
    %add3A_65 = vector.broadcast %get3A_64 : vector<1x256xf32> to vector<512x256xf32>
    %add3A_66 = arith.addf %dot_general3A_61, %add3A_65 : vector<512x256xf32>
    %logistic3A_67 = arith.negf %add3A_66 : vector<512x256xf32>
    %logistic3A_68 = math.exp %logistic3A_67 : vector<512x256xf32>
    %logistic3A_69 = arith.constant 1.000000e+00 : f32
    %logistic3A_70 = vector.broadcast %logistic3A_69 : f32 to vector<512x256xf32>
    %logistic3A_71 = arith.addf %logistic3A_70, %logistic3A_68 : vector<512x256xf32>
    %logistic3A_72 = arith.divf %logistic3A_70, %logistic3A_71 : vector<512x256xf32>
    %swap3A = arith.constant 0 : index
    %swap3A_73 = arith.constant 0 : index
    %swap3A_74 = vector.load %arg10[%swap3A, %swap3A_73] : memref<512x256xf32, #tpu.memory_space<vmem>>, vector<512x256xf32>
    tpu.vector_store %arg10[%swap3A, %swap3A_73], %logistic3A_72 {strides = array<i32>} : memref<512x256xf32, #tpu.memory_space<vmem>>, vector<512x256xf32>,
    return
  }
  func.func @transform_0(%arg0: i32) -> (i32, i32) {
    %c0_i32 = arith.constant 0 : i32
    %c0_i32_0 = arith.constant 0 : i32
    return %arg0, %c0_i32 : i32, i32
  }
  func.func @transform_1(%arg0: i32) -> (i32, i32) {
    %c0_i32 = arith.constant 0 : i32
    %c0_i32_0 = arith.constant 0 : i32
    return %arg0, %c0_i32 : i32, i32
  }
  func.func @transform_2(%arg0: i32) -> (i32, i32) {
    %c0_i32 = arith.constant 0 : i32
    %c0_i32_0 = arith.constant 0 : i32
    return %arg0, %c0_i32 : i32, i32
  }
  func.func @transform_3(%arg0: i32) -> (i32, i32) {
    %c0_i32 = arith.constant 0 : i32
    %c0_i32_0 = arith.constant 0 : i32
    return %arg0, %c0_i32 : i32, i32
  }
  func.func @transform_4(%arg0: i32) -> (i32, i32) {
    %c0_i32 = arith.constant 0 : i32
    %c0_i32_0 = arith.constant 0 : i32
    %c0_i32_1 = arith.constant 0 : i32
    return %c0_i32, %c0_i32_0 : i32, i32
  }
  func.func @transform_5(%arg0: i32) -> (i32, i32) {
    %c0_i32 = arith.constant 0 : i32
    %c0_i32_0 = arith.constant 0 : i32
    %c0_i32_1 = arith.constant 0 : i32
    return %c0_i32, %c0_i32_0 : i32, i32
  }
  func.func @transform_6(%arg0: i32) -> (i32, i32) {
    %c0_i32 = arith.constant 0 : i32
    %c0_i32_0 = arith.constant 0 : i32
    return %arg0, %c0_i32 : i32, i32
  }
  func.func @transform_7(%arg0: i32) -> (i32, i32) {
    %c0_i32 = arith.constant 0 : i32
    %c0_i32_0 = arith.constant 0 : i32
    %c0_i32_1 = arith.constant 0 : i32
    return %c0_i32, %c0_i32_0 : i32, i32
  }
  func.func @transform_8(%arg0: i32) -> (i32, i32) {
    %c0_i32 = arith.constant 0 : i32
    %c0_i32_0 = arith.constant 0 : i32
    %c0_i32_1 = arith.constant 0 : i32
    return %c0_i32, %c0_i32_0 : i32, i32
  }
  func.func @transform_9(%arg0: i32) -> (i32, i32) {
    %c0_i32 = arith.constant 0 : i32
    %c0_i32_0 = arith.constant 0 : i32
    return %arg0, %c0_i32 : i32, i32
  }
}

</mosaic_0001>

<sc_bundles>
// kernel: kernel.12.cloned.1.call-start
scs
__scs_entry_jumppad:
0x0: {  	(pc) =	sbr.rel $0x88, $3  }
0x1: {  	(tag) =	ssettag $0x0;
	lr =	simm.s32 $0x1  }
0x2: {  	[smem:$0x3F96] =	sst lr;
	_ =	strace $0xD0000000  }
0x3: {  	_ = 	snop  }
0x4: {  	_ = 	snop  }
0x5: {  	_ = 	snop  }
0x6: {  	_ = 	snop  }
0x7: {  	_ = 	snop  }
__scs_overlays_trampoline_lowered:
0x8: {  	[smem:$0x3FA5] =	sst s0  }
0x9: {  	[smem:$0x3FA6] =	sst s1  }
0xa: {  	[smem:$0x3FA7] =	sst s2  }
0xb: {  	[smem:$0x3FA8] =	sst s3  }
0xc: {  	[smem:$0x3FA9] =	sst s4  }
0xd: {  	[smem:$0x3FAA] =	sst s5  }
0xe: {  	[smem:$0x3FAB] =	sst s6  }
0xf: {  	[smem:$0x3FAC] =	sst s7  }
0x10: {  	[smem:$0x3FAD] =	sst s8  }
0x11: {  	[smem:$0x3FAE] =	sst s9;
	s0 =	simm.s32 @!p0 $0x0  }
0x12: {  	s1 =	sld [smem:$0x3F94];
	s0 =	simm.s32 @p0 $0x1  }
0x13: {  	[smem:$0x3FAF] =	sst s0;
	s0 =	simm.s32 @!p1 $0x0  }
0x14: {  	s2 =	sld [smem:$0x3F93];
	s0 =	simm.s32 @p1 $0x1  }
0x15: {  	[smem:$0x3FB0] =	sst s0;
	s0 =	simm.s32 @!p2 $0x0  }
0x16: {  	s3 =	sld [smem:$0x3FDB];
	s0 =	simm.s32 @p2 $0x1  }
0x17: {  	s4 =	simm.s32 $0x1BF5;
	[smem:$0x3FB2] =	sst s0  }
0x18: {  	s0 =	sld [smem:$0x3F95];
	_ =	swait.ge [sflag:s4], $0x0  }
0x19: {  	s7 =	sld [smem:$0x3F96]  }
0x1a: {  	s8 =	sadd.s32 $0xFFFFE003, lr  }
0x1b: {  	s9 =	sadd.s32 $0xFFFFFEF7, lr;
	s5 =	simm.s32 $0xFFFFFFFF;
	p2 =	slt.u32 s8, $0xFFFFF086  }
0x1c: {  	p1 =	slt.u32 s9, $0xF7A;
	s5 =	simm.s32 @!p2 $0x0  }
0x1d: {  	s5 =	simm.s32 @p1 $0x1;
	p0 =	seq.s32 s7, s2  }
0x1e: {  	s7 =	smul.u32 @!p0 $0xF7A, s2;
	p2 =	seq.s32 @!p0 s5, $0x0  }
0x1f: {  	s9 =	smul.u32 $0xF7A, s1;
	s8 =	simm.s32 @!p0 $0x1BF5;
	p2 =	por !p2, p0  }
0x20: {  	[sflag:s8] =	ssyncset.s32 @!p0 $0xFFFFF086;
	s6 =	sadd.s32 @!p0 s3, s7;
	s7 =	simm.s32 @!p0 $0x108  }
0x21: {  	s3 =	sadd.s32 s3, s9;
	s6 =	sadd.s32 @!p0 $0x88, s6;
	s7 =	simm.s32 @p2 $0x1082  }
0x22: {  	[simem:s7], [sflag:s8] =	dma.local @!p0 [hbm:s6], $0xF7A  }
0x23: {  	s9 =	sor.u32 $0xD0000000, s2;
	s6 =	simm.s32 $0x108;
	_ =	swait.ge @!p0 [sflag:s8], $0x0  }
0x24: {  	s3 =	sadd.s32 $0x88, s3;
	s6 =	simm.s32 @!p1 $0x1082;
	[sflag:s4] =	ssyncset.s32 $0xFFFFF086  }
0x25: {  	[simem:s6], [sflag:s4] =	dma.local [hbm:s3], $0xF7A  }
0x26: {  	[smem:$0x3F96] =	sst s1;
	(tag) =	ssettag s2;
	_ =	strace s9  }
0x27: {  	s1 =	sld [smem:$0x3FA6]  }
0x28: {  	s2 =	sld [smem:$0x3FA7]  }
0x29: {  	s4 =	sld [smem:$0x3FA9]  }
0x2a: {  	p0 =	seq.s32 s5, $0x0;
	s5 =	sld [smem:$0x3FAA]  }
0x2b: {  	s6 =	sld [smem:$0x3FAB]  }
0x2c: {  	s7 =	sld [smem:$0x3FAC]  }
0x2d: {  	s3 =	simm.s32 $0x108;
	s8 =	sld [smem:$0x3FAD]  }
0x2e: {  	s3 =	simm.s32 @!p0 $0x1082;
	s9 =	sld [smem:$0x3FAE]  }
0x2f: {  	lr =	sadd.s32 s0, s3;
	s0 =	sld [smem:$0x3FA5]  }
0x30: {  	s3 =	sld [smem:$0x3FA8]  }
0x31: {  	[smem:$0x3FB1] =	sst s10  }
0x32: {  	s10 =	sld [smem:$0x3FAF];
	_ =	sdelay $0x3  }
0x33: {  	p0 =	seq.s32 s10, $0x1;
	s10 =	sld [smem:$0x3FB1];
	_ =	sdelay $0x3  }
0x34: {  	[smem:$0x3FB1] =	sst s10  }
0x35: {  	s10 =	sld [smem:$0x3FB0];
	_ =	sdelay $0x3  }
0x36: {  	p1 =	seq.s32 s10, $0x1;
	s10 =	sld [smem:$0x3FB1];
	_ =	sdelay $0x3  }
0x37: {  	[smem:$0x3FB1] =	sst s10  }
0x38: {  	s10 =	sld [smem:$0x3FB2]  }
0x39: {  	_ = 	snop;
	(pc) =	sbr.ind lr, $3  }
0x3a: {  	_ = 	snop  }
0x3b: {  	_ = 	snop  }
0x3c: {  	p2 =	seq.s32 s10, $0x1;
	s10 =	sld [smem:$0x3FB1]  }
0x3d: {  	_ =	shalt  }
0x3e: {  	_ =	shalt  }
0x3f: {  	_ =	shalt  }
0x40: {  	_ =	shalt  }
0x41: {  	_ =	shalt  }
0x42: {  	_ =	shalt  }
0x43: {  	_ =	shalt  }
0x44: {  	_ =	shalt  }
0x45: {  	_ =	shalt  }
0x46: {  	_ =	shalt  }
0x47: {  	_ =	shalt  }
0x48: {  	_ =	shalt  }
0x49: {  	_ =	shalt  }
0x4a: {  	_ =	shalt  }
0x4b: {  	_ =	shalt  }
0x4c: {  	_ =	shalt  }
0x4d: {  	_ =	shalt  }
0x4e: {  	_ =	shalt  }
0x4f: {  	_ =	shalt  }
0x50: {  	_ =	shalt  }
0x51: {  	_ =	shalt  }
0x52: {  	_ =	shalt  }
0x53: {  	_ =	shalt  }
0x54: {  	_ =	shalt  }
0x55: {  	_ =	shalt  }
0x56: {  	_ =	shalt  }
0x57: {  	_ =	shalt  }
0x58: {  	_ =	shalt  }
0x59: {  	_ =	shalt  }
0x5a: {  	_ =	shalt  }
0x5b: {  	_ =	shalt  }
0x5c: {  	_ =	shalt  }
0x5d: {  	_ =	shalt  }
0x5e: {  	_ =	shalt  }
0x5f: {  	_ =	shalt  }
0x60: {  	_ =	shalt  }
0x61: {  	_ =	shalt  }
0x62: {  	_ =	shalt  }
0x63: {  	_ =	shalt  }
0x64: {  	_ =	shalt  }
0x65: {  	_ =	shalt  }
0x66: {  	_ =	shalt  }
0x67: {  	_ =	shalt  }
0x68: {  	_ =	shalt  }
0x69: {  	_ =	shalt  }
0x6a: {  	_ =	shalt  }
0x6b: {  	_ =	shalt  }
0x6c: {  	_ =	shalt  }
0x6d: {  	_ =	shalt  }
0x6e: {  	_ =	shalt  }
0x6f: {  	_ =	shalt  }
0x70: {  	_ =	shalt  }
0x71: {  	_ =	shalt  }
0x72: {  	_ =	shalt  }
0x73: {  	_ =	shalt  }
0x74: {  	_ =	shalt  }
0x75: {  	_ =	shalt  }
0x76: {  	_ =	shalt  }
0x77: {  	_ =	shalt  }
0x78: {  	_ =	shalt  }
0x79: {  	_ =	shalt  }
0x7a: {  	_ =	shalt  }
0x7b: {  	_ =	shalt  }
0x7c: {  	_ =	shalt  }
0x7d: {  	_ =	shalt  }
0x7e: {  	_ =	shalt  }
0x7f: {  	_ =	shalt  }
0x80: {  	_ =	shalt  }
0x81: {  	_ =	shalt  }
0x82: {  	_ =	shalt  }
0x83: {  	_ =	shalt  }
0x84: {  	_ =	shalt  }
0x85: {  	_ =	shalt  }
0x86: {  	_ =	shalt  }
0x87: {  	_ =	shalt  }
.Lfunc_end0:
.L_simem_size_0:
called_computation_lowered:
.L_overlay_start_0:
0x88: {  	s2 =	sld [smem:$0x3FD9]  }
0x89: {  	s3 =	sld [smem:$0x3FFE];
	_ =	sdelay $0x1  }
0x8a: {  	s1 =	srdreg.scid  }
0x8b: {  	s0 =	sand.u32 $0x1, s1  }
0x8c: {  	s17 =	sshll.u32 s0, $0xA;
	s2 =	sadd.s32 s3, s2  }
0x8d: {  	s2 =	sadd.s32 s2, s17  }
0x8e: {  	[smem:$0x3FBD] =	sst s2  }
0x8f: {  	_ = 	snop  }
0x90: {  	s2 =	sld [smem:$0x3FD0];
	(tm) =	ssettm $0x1  }
0x91: {  	s18 =	sld [smem:$0x3FFB];
	_ =	sdelay $0x3  }
0x92: {  	_ =	strace s18  }
0x93: {  	s3 =	sld [smem:$0x3FFC];
	_ =	sdelay $0x3  }
0x94: {  	_ =	strace s3  }
0x95: {  	s3 =	sld [smem:$0x3FFD];
	_ =	sdelay $0x3  }
0x96: {  	_ =	strace s3  }
0x97: {  	_ =	strace $0x8FFFFFFF  }
0x98: {  	s19 =	sld [smem:$0x3FDB];
	_ =	sdelay $0x1  }
0x99: {  	s4 =	simm.s32 $_scs_section_size  }
0x9a: {  	s5 =	simm.s32 $_size__tile_overlayer_lowered;
	s6 =	simm.s32 $_tile_overlayer_lowered  }
0x9b: {  	s22 =	simm.s32 $0x1BFF;
	s21 =	sshll.u32 s6, $0x1;
	s3 =	sadd.s32 s4, s19  }
0x9c: {  	s7 =	simm.s32 $0x0;
	s20 =	sshll.u32 s5, $0x1;
	s5 =	sadd.s32 s21, s3  }
0x9d: {  	[timem:s7], [sflag:s22] =	dma.local [hbm:s5], s20  }
0x9e: {  	_ =	swait.ge [sflag:s22], s20  }
0x9f: {  	s4 =	ssub.s32 $0x0, s20;
	[sflag:s22] =	ssyncset.done $0x0  }
0xa0: {  	[sflag:s22] =	ssyncadd.s32 s4;
	_ =	sdelay $0x1  }
0xa1: {  	s23 =	simm.s32 $0x1B8B  }
0xa2: {  	_ =	swait.ge [sflag:s23], $0x1  }
0xa3: {  	[sflag:s23] =	ssyncset.done $0x0  }
0xa4: {  	s25 =	simm.s32 $0x1B8E;
	s24 =	sld [smem:$0x3FFE];
	[sflag:s23] =	ssyncadd.s32 $0xFFFFFFFF  }
0xa5: {  	s26 =	simm.s32 $execute0_lowered;
	[smem:$0x3FD2] =	sst s25  }
0xa6: {  	s5 =	sshll.u32 s26, $0x1;
	_ =	strace $0x80000046;
	[dreg:$0x1] =	wrdreg $0xFFFFFFFF  }
0xa7: {  	s28 =	simm.s32 $_size_execute0_lowered;
	s3 =	sadd.s32 s3, s5;
	[dreg:$0x0] =	wrdreg $0x0  }
0xa8: {  	s5 =	sshll.u32 s28, $0x1;
	[dreg:$0x2] =	wrdreg s3  }
0xa9: {  	[dreg:$0x3] =	wrdreg s5  }
0xaa: {  	[dreg:$0x4] =	wrdreg $0xC0  }
0xab: {  	_ =	task [dreg:s7], $0x5FFFF  }
0xac: {  	[dreg:$0x1] =	wrdreg $0xFFFFFFFF  }
0xad: {  	[dreg:$0x0] =	wrdreg $0x60  }
0xae: {  	[dreg:$0x2] =	wrdreg s24  }
0xaf: {  	[dreg:$0x3] =	wrdreg s2  }
0xb0: {  	[dreg:$0x4] =	wrdreg $0x40800  }
0xb1: {  	[dreg:$0x5] =	wrdreg $0x9  }
0xb2: {  	_ =	task.clear_ibuf [dreg:s7], $0x6FFFF;
	_ =	strace $0x90000046  }
0xb3: {  	s29 =	simm.s32 $0x9;
	_ =	strace $0x80000048  }
0xb4: {  	_ =	swait.ge [sflag:s29], $0x1  }
0xb5: {  	[sflag:s29] =	ssyncadd.s32 $0xFFFFFFFF  }
0xb6: {  	_ =	strace $0x90000048  }
0xb7: {  	_ =	sfence  }
0xb8: {  	s30 =	sld [smem:$0x0];
	_ =	sdelay $0x2  }
0xb9: {  	s31 =	sshll.u32 s1, $0xD;
	s1 =	sshrl.u32 s1, $0x2  }
0xba: {  	s3 =	sand.u32 $0x4000, s31;
	s1 =	sadd.s32 s1, s30  }
0xbb: {  	s0 =	sor.u32 s3, s0;
	s1 =	sshll.u32 s1, $0x11  }
0xbc: {  	s0 =	sor.u32 s1, s0  }
0xbd: {  	s0 =	sadd.s32 $0x8F2B, s0  }
0xbe: {  	[sflag:s0] =	ssyncadd.remote.s32 $0x1  }
0xbf: {  	_ =	sfence.sel $0xFFFF  }
0xc0: {  	[dreg:$0x0] =	wrdreg $0xFFFFFFFF;
	(pc) =	sbr.abs _section_cstart, $3  }
0xc1: {  	[dreg:$0x1] =	wrdreg $0xFFFFFFFF  }
0xc2: {  	_ =	task.clear_ibuf [dreg:s7], $0x2FFFF;
	_ =	strace $0x9FFFFFFF  }
0xc3: {  	(tm) =	ssettm $0x7FFFFFFF  }
tec
execute0_lowered:
.L_overlay_start_1:
0x0: {  	(tag) =	ssettag $0x1  }
0x1: {  	s6 =	rddreg [dreg:$0x0]  }
0x2: {  	s7 =	rddreg [dreg:$0x1]  }
0x3: {  	s2 =	rddreg [dreg:$0x2]  }
0x4: {  	s0 =	rddreg [dreg:$0x3]  }
0x5: {  	s4 =	srdreg.scid;
	s1 =	stileid.u32  }
0x6: {  	s3 =	simm.s32 $0x0;
	s14 =	simm.s32 $0x0;
	s9 =	smul.u32 $0x14000, s1  }
0x7: {  	s8 =	sand.u32 $0x1, s4;
	[smem:$0x7FF] =	sst s3;
	s12 =	smul.u32 $0x50000, s1  }
0x8: {  	s4 =	sadd.s32 $0x4200, s6;
	s5 =	sadd.s32 $0xE200, s6;
	s29 =	smul.u32 $0x2800, s1  }
0x9: {  	s31 =	sshll.u32 s1, $0x6;
	s10 =	smul.u32 $0x140000, s8;
	s11 =	ssub.s32 $0x2, s8  }
0xa: {  	_ =	strace $0x80000047;
	s8 =	smul.u32 $0x28000, s8;
	s26 =	sshrl.u32 s11, $0x1  }
0xb: {  	s28 =	sshrl.u32 s12, $0x2;
	s30 =	sshrl.u32 s9, $0x3;
	s10 =	sadd.s32 s9, s10  }
0xc: {  	s12 =	simm.s32 $0x1;
	s11 =	ssub.s32 s11, s26;
	s10 =	sshrl.u32 s10, $0x3  }
0xd: {  	s13 =	sadd.s32 s28, s2;
	s8 =	sadd.s32 s29, s8;
	s10 =	sadd.s32 s10, s6  }
0xe: {  	s6 =	sadd.s32 s7, s30;
	s7 =	sor.u32 $0x1C01, s31;
	s9 =	sadd.s32 $0xEA00, s10  }
0xf: {  	s10 =	smax.u32 s11, $0x1;
	s11 =	sshrl.u32 s13, $0x3;
	s13 =	simm.s32 $0x80  }
.LBB2_1:
0x10: {  	[spmem:s11], [sflag:s7] =	dma.local [hbm:s6], $0x2800  }
0x11: {  	_ =	swait.ge [sflag:s12], $0x2800  }
0x12: {  	[sflag:s12] =	ssyncset.done $0x0  }
0x13: {  	s15 =	sand.u32 $0x3C00, s3;
	[sflag:s12] =	ssyncadd.s32 $0xFFFFD800  }
0x14: {  	[tilespmem:s13], [sflag:$0x1] =	stream.linear.gather [hbm4b:s5+s3], $0x4000, $0x38;
	[tilespmem:$0x18080] =	vst v63  }
0x15: {  	s16 =	sand.u32 $0x380, s3;
	s15 =	sadd.s32 s15, s8;
	_ =	swait.ge [sflag:s12], $0x4000  }
0x16: {  	s15 =	sor.u32 s16, s15;
	[sflag:s12] =	ssyncset.done $0x0  }
0x17: {  	s15 =	sshrl.u32 s15, $0x3;
	[sflag:s12] =	ssyncadd.s32 $0xFFFFC000  }
0x18: {  	s15 =	sadd.s32 s4, s15;
	[bflag:$0x0] =	sbarrier.arrive $0xFFFF  }
0x19: {  	[tilespmem:s3], [sflag:$0x1] =	stream.linear.gather [hbm4b:s15+s3], $0x80, $0x38;
	[tilespmem:$0x18080] =	vst v63  }
0x1a: {  	_ =	swait.ge [sflag:s12], $0x80  }
0x1b: {  	s30 =	simm.s32 $0x80;
	[sflag:s12] =	ssyncset.done $0x0  }
0x1c: {  	s31 =	sand.u32 $0x3C00, s30;
	[sflag:s12] =	ssyncadd.s32 $0xFFFFFF80  }
0x1d: {  	[spmem:s2] =	stream.indirect.scatter.add.f32 [tilespmem:s13], [sflag:$0x1], $0x80, s3, s13, $0xb8;
	[tilespmem:$0x18080] =	vst v63  }
0x1e: {  	s17 =	sand.u32 $0x380, s30;
	s16 =	sadd.s32 s31, s8;
	_ =	swait.ge [sflag:s12], $0x4000  }
0x1f: {  	s16 =	sor.u32 s17, s16;
	s15 =	simm.s32 $0x100;
	[sflag:s12] =	ssyncset.done $0x0  }
.LBB2_2:
0x20: {  	s16 =	sshrl.u32 s16, $0x3  }
0x21: {  	[sflag:s12] =	ssyncadd.s32 $0xFFFFC000;
	s17 =	smov.u32 s15;
	s18 =	sadd.s32 $0x80, s15  }
0x22: {  	p0 =	sne.s32 s15, $0x2700;
	s15 =	sadd.s32 s4, s16  }
0x23: {  	[tilespmem:s3], [sflag:$0x1] =	stream.linear.gather [hbm4b:s15+s3], $0x80, $0x38;
	[tilespmem:$0x18080] =	vst v63  }
0x24: {  	_ =	swait.ge [sflag:s12], $0x80  }
.Ltmp0:
0x25: {  	[sflag:s12] =	ssyncset.done $0x0;
	(pc) =	sbr.rel @p0 .LBB2_2-.Ltmp0, $4  }
0x26: {  	s15 =	sand.u32 $0x3C00, s17;
	[sflag:s12] =	ssyncadd.s32 $0xFFFFFF80  }
0x27: {  	[spmem:s2] =	stream.indirect.scatter.add.f32 [tilespmem:s13], [sflag:$0x1], $0x80, s3, s13, $0xb8;
	[tilespmem:$0x18080] =	vst v63  }
0x28: {  	s16 =	sand.u32 $0x380, s17;
	s15 =	sadd.s32 s15, s8;
	_ =	swait.ge [sflag:s12], $0x4000  }
0x29: {  	s16 =	sor.u32 s16, s15;
	s15 =	smov.u32 s18;
	[sflag:s12] =	ssyncset.done $0x0  }
0x2a: {  	s15 =	sshrl.u32 s16, $0x3  }
0x2b: {  	[sflag:s12] =	ssyncadd.s32 $0xFFFFC000;
	s15 =	sadd.s32 s4, s15  }
0x2c: {  	[tilespmem:s3], [sflag:$0x1] =	stream.linear.gather [hbm4b:s15+s3], $0x80, $0x38;
	[tilespmem:$0x18080] =	vst v63  }
0x2d: {  	_ =	swait.ge [sflag:s12], $0x80  }
0x2e: {  	[sflag:s12] =	ssyncset.done $0x0  }
0x2f: {  	[sflag:s12] =	ssyncadd.s32 $0xFFFFFF80  }
0x30: {  	[spmem:s2] =	stream.indirect.scatter.add.f32 [tilespmem:s13], [sflag:$0x1], $0x80, s3, s13, $0xb8;
	[tilespmem:$0x18080] =	vst v63  }
0x31: {  	_ =	swait.ge [sflag:s12], $0x4000  }
0x32: {  	s14 =	sadd.s32 $0x1, s14;
	[sflag:s12] =	ssyncset.done $0x0  }
0x33: {  	p0 =	sne.s32 s14, s10;
	[sflag:s12] =	ssyncadd.s32 $0xFFFFC000  }
.Ltmp1:
0x34: {  	[bflag:$0x0] =	sbarrier.arrive $0xFFFF;
	(pc) =	sbr.rel @p0 .LBB2_1-.Ltmp1, $4  }
0x35: {  	[hbm:s9], [sflag:s7] =	dma.local [spmem:s11], $0x2800  }
0x36: {  	_ =	swait.ge [sflag:s12], $0x2800  }
0x37: {  	[sflag:s12] =	ssyncset.done $0x0  }
0x38: {  	[sflag:s12] =	ssyncadd.s32 $0xFFFFD800  }
0x39: {  	_ =	sfence.sel $0x180000  }
0x3a: {  	[bflag:$0x0] =	sbarrier.arrive $0xFFFF  }
0x3b: {  	p0 =	sne.s32 s1, $0x0;
	_ =	strace $0x90000047  }
0x3c: {  	s0 =	sadd.s32 @!p0 $0x100000, s0;
	[bflag:$0x2] =	sbarrier.arrive $0xFFFF  }
0x3d: {  	[sflag:s0] =	ssyncadd.tile.s32 @!p0 $0x1;
	_ =	shalt  }
.Lfunc_end2:
_tile_overlayer_lowered:
.L_overlay_start_2:
0x3e: {  	(tag) =	ssettag $0x2  }
0x3f: {  	s0 =	rddreg [dreg:$0x0];
	s2 =	stileid.u32  }
0x40: {  	s1 =	rddreg [dreg:$0x1];
	p0 =	sne.s32 s2, $0x0  }
0x41: {  	s3 =	rddreg [dreg:$0x2];
	[bflag:$0x3] =	sbarrier.arrive $0xFFFF;
	s2 =	simm.s32 @!p0 $0x1C01  }
0x42: {  	[timem:s3], [sflag:s2] =	dma.local @!p0 [hbm:s0], s1  }
0x43: {  	s0 =	simm.s32 @!p0 $0x1  }
0x44: {  	_ =	swait.ge @!p0 [sflag:s0], s1  }
0x45: {  	s1 =	ssub.s32 @!p0 $0x0, s1;
	[sflag:s0] =	ssyncset.done @!p0 $0x0  }
0x46: {  	[sflag:s0] =	ssyncadd.s32 @!p0 s1  }
0x47: {  	[bflag:$0x3] =	sbarrier.arrive $0xFFFF  }
0x48: {  	_ =	shalt  }

// kernel: kernel.15.cloned.1.call-start
scs
__scs_entry_jumppad:
0x0: {  	(pc) =	sbr.rel $0x88, $3  }
0x1: {  	(tag) =	ssettag $0x0;
	lr =	simm.s32 $0x1  }
0x2: {  	[smem:$0x3F96] =	sst lr;
	_ =	strace $0xD0000000  }
0x3: {  	_ = 	snop  }
0x4: {  	_ = 	snop  }
0x5: {  	_ = 	snop  }
0x6: {  	_ = 	snop  }
0x7: {  	_ = 	snop  }
__scs_overlays_trampoline_lowered:
0x8: {  	[smem:$0x3FA5] =	sst s0  }
0x9: {  	[smem:$0x3FA6] =	sst s1  }
0xa: {  	[smem:$0x3FA7] =	sst s2  }
0xb: {  	[smem:$0x3FA8] =	sst s3  }
0xc: {  	[smem:$0x3FA9] =	sst s4  }
0xd: {  	[smem:$0x3FAA] =	sst s5  }
0xe: {  	[smem:$0x3FAB] =	sst s6  }
0xf: {  	[smem:$0x3FAC] =	sst s7  }
0x10: {  	[smem:$0x3FAD] =	sst s8  }
0x11: {  	[smem:$0x3FAE] =	sst s9;
	s0 =	simm.s32 @!p0 $0x0  }
0x12: {  	s1 =	sld [smem:$0x3F94];
	s0 =	simm.s32 @p0 $0x1  }
0x13: {  	[smem:$0x3FAF] =	sst s0;
	s0 =	simm.s32 @!p1 $0x0  }
0x14: {  	s2 =	sld [smem:$0x3F93];
	s0 =	simm.s32 @p1 $0x1  }
0x15: {  	[smem:$0x3FB0] =	sst s0;
	s0 =	simm.s32 @!p2 $0x0  }
0x16: {  	s3 =	sld [smem:$0x3FDB];
	s0 =	simm.s32 @p2 $0x1  }
0x17: {  	s4 =	simm.s32 $0x1BF5;
	[smem:$0x3FB2] =	sst s0  }
0x18: {  	s0 =	sld [smem:$0x3F95];
	_ =	swait.ge [sflag:s4], $0x0  }
0x19: {  	s7 =	sld [smem:$0x3F96]  }
0x1a: {  	s8 =	sadd.s32 $0xFFFFE003, lr  }
0x1b: {  	s9 =	sadd.s32 $0xFFFFFEF7, lr;
	s5 =	simm.s32 $0xFFFFFFFF;
	p2 =	slt.u32 s8, $0xFFFFF086  }
0x1c: {  	p1 =	slt.u32 s9, $0xF7A;
	s5 =	simm.s32 @!p2 $0x0  }
0x1d: {  	s5 =	simm.s32 @p1 $0x1;
	p0 =	seq.s32 s7, s2  }
0x1e: {  	s7 =	smul.u32 @!p0 $0xF7A, s2;
	p2 =	seq.s32 @!p0 s5, $0x0  }
0x1f: {  	s9 =	smul.u32 $0xF7A, s1;
	s8 =	simm.s32 @!p0 $0x1BF5;
	p2 =	por !p2, p0  }
0x20: {  	[sflag:s8] =	ssyncset.s32 @!p0 $0xFFFFF086;
	s6 =	sadd.s32 @!p0 s3, s7;
	s7 =	simm.s32 @!p0 $0x108  }
0x21: {  	s3 =	sadd.s32 s3, s9;
	s6 =	sadd.s32 @!p0 $0x88, s6;
	s7 =	simm.s32 @p2 $0x1082  }
0x22: {  	[simem:s7], [sflag:s8] =	dma.local @!p0 [hbm:s6], $0xF7A  }
0x23: {  	s9 =	sor.u32 $0xD0000000, s2;
	s6 =	simm.s32 $0x108;
	_ =	swait.ge @!p0 [sflag:s8], $0x0  }
0x24: {  	s3 =	sadd.s32 $0x88, s3;
	s6 =	simm.s32 @!p1 $0x1082;
	[sflag:s4] =	ssyncset.s32 $0xFFFFF086  }
0x25: {  	[simem:s6], [sflag:s4] =	dma.local [hbm:s3], $0xF7A  }
0x26: {  	[smem:$0x3F96] =	sst s1;
	(tag) =	ssettag s2;
	_ =	strace s9  }
0x27: {  	s1 =	sld [smem:$0x3FA6]  }
0x28: {  	s2 =	sld [smem:$0x3FA7]  }
0x29: {  	s4 =	sld [smem:$0x3FA9]  }
0x2a: {  	p0 =	seq.s32 s5, $0x0;
	s5 =	sld [smem:$0x3FAA]  }
0x2b: {  	s6 =	sld [smem:$0x3FAB]  }
0x2c: {  	s7 =	sld [smem:$0x3FAC]  }
0x2d: {  	s3 =	simm.s32 $0x108;
	s8 =	sld [smem:$0x3FAD]  }
0x2e: {  	s3 =	simm.s32 @!p0 $0x1082;
	s9 =	sld [smem:$0x3FAE]  }
0x2f: {  	lr =	sadd.s32 s0, s3;
	s0 =	sld [smem:$0x3FA5]  }
0x30: {  	s3 =	sld [smem:$0x3FA8]  }
0x31: {  	[smem:$0x3FB1] =	sst s10  }
0x32: {  	s10 =	sld [smem:$0x3FAF];
	_ =	sdelay $0x3  }
0x33: {  	p0 =	seq.s32 s10, $0x1;
	s10 =	sld [smem:$0x3FB1];
	_ =	sdelay $0x3  }
0x34: {  	[smem:$0x3FB1] =	sst s10  }
0x35: {  	s10 =	sld [smem:$0x3FB0];
	_ =	sdelay $0x3  }
0x36: {  	p1 =	seq.s32 s10, $0x1;
	s10 =	sld [smem:$0x3FB1];
	_ =	sdelay $0x3  }
0x37: {  	[smem:$0x3FB1] =	sst s10  }
0x38: {  	s10 =	sld [smem:$0x3FB2]  }
0x39: {  	_ = 	snop;
	(pc) =	sbr.ind lr, $3  }
0x3a: {  	_ = 	snop  }
0x3b: {  	_ = 	snop  }
0x3c: {  	p2 =	seq.s32 s10, $0x1;
	s10 =	sld [smem:$0x3FB1]  }
0x3d: {  	_ =	shalt  }
0x3e: {  	_ =	shalt  }
0x3f: {  	_ =	shalt  }
0x40: {  	_ =	shalt  }
0x41: {  	_ =	shalt  }
0x42: {  	_ =	shalt  }
0x43: {  	_ =	shalt  }
0x44: {  	_ =	shalt  }
0x45: {  	_ =	shalt  }
0x46: {  	_ =	shalt  }
0x47: {  	_ =	shalt  }
0x48: {  	_ =	shalt  }
0x49: {  	_ =	shalt  }
0x4a: {  	_ =	shalt  }
0x4b: {  	_ =	shalt  }
0x4c: {  	_ =	shalt  }
0x4d: {  	_ =	shalt  }
0x4e: {  	_ =	shalt  }
0x4f: {  	_ =	shalt  }
0x50: {  	_ =	shalt  }
0x51: {  	_ =	shalt  }
0x52: {  	_ =	shalt  }
0x53: {  	_ =	shalt  }
0x54: {  	_ =	shalt  }
0x55: {  	_ =	shalt  }
0x56: {  	_ =	shalt  }
0x57: {  	_ =	shalt  }
0x58: {  	_ =	shalt  }
0x59: {  	_ =	shalt  }
0x5a: {  	_ =	shalt  }
0x5b: {  	_ =	shalt  }
0x5c: {  	_ =	shalt  }
0x5d: {  	_ =	shalt  }
0x5e: {  	_ =	shalt  }
0x5f: {  	_ =	shalt  }
0x60: {  	_ =	shalt  }
0x61: {  	_ =	shalt  }
0x62: {  	_ =	shalt  }
0x63: {  	_ =	shalt  }
0x64: {  	_ =	shalt  }
0x65: {  	_ =	shalt  }
0x66: {  	_ =	shalt  }
0x67: {  	_ =	shalt  }
0x68: {  	_ =	shalt  }
0x69: {  	_ =	shalt  }
0x6a: {  	_ =	shalt  }
0x6b: {  	_ =	shalt  }
0x6c: {  	_ =	shalt  }
0x6d: {  	_ =	shalt  }
0x6e: {  	_ =	shalt  }
0x6f: {  	_ =	shalt  }
0x70: {  	_ =	shalt  }
0x71: {  	_ =	shalt  }
0x72: {  	_ =	shalt  }
0x73: {  	_ =	shalt  }
0x74: {  	_ =	shalt  }
0x75: {  	_ =	shalt  }
0x76: {  	_ =	shalt  }
0x77: {  	_ =	shalt  }
0x78: {  	_ =	shalt  }
0x79: {  	_ =	shalt  }
0x7a: {  	_ =	shalt  }
0x7b: {  	_ =	shalt  }
0x7c: {  	_ =	shalt  }
0x7d: {  	_ =	shalt  }
0x7e: {  	_ =	shalt  }
0x7f: {  	_ =	shalt  }
0x80: {  	_ =	shalt  }
0x81: {  	_ =	shalt  }
0x82: {  	_ =	shalt  }
0x83: {  	_ =	shalt  }
0x84: {  	_ =	shalt  }
0x85: {  	_ =	shalt  }
0x86: {  	_ =	shalt  }
0x87: {  	_ =	shalt  }
.Lfunc_end0:
.L_simem_size_0:
called_computation.1_lowered:
.L_overlay_start_0:
0x88: {  	s2 =	sld [smem:$0x3FD9]  }
0x89: {  	s3 =	sld [smem:$0x3FFE];
	_ =	sdelay $0x1  }
0x8a: {  	s1 =	srdreg.scid  }
0x8b: {  	s0 =	sand.u32 $0x1, s1  }
0x8c: {  	s17 =	sshll.u32 s0, $0xA;
	s2 =	sadd.s32 s3, s2  }
0x8d: {  	s2 =	sadd.s32 s2, s17  }
0x8e: {  	[smem:$0x3FBD] =	sst s2  }
0x8f: {  	_ = 	snop  }
0x90: {  	s2 =	sld [smem:$0x3FD0];
	(tm) =	ssettm $0x1  }
0x91: {  	s18 =	sld [smem:$0x3FFB];
	_ =	sdelay $0x3  }
0x92: {  	_ =	strace s18  }
0x93: {  	s3 =	sld [smem:$0x3FFC];
	_ =	sdelay $0x3  }
0x94: {  	_ =	strace s3  }
0x95: {  	s3 =	sld [smem:$0x3FFD];
	_ =	sdelay $0x3  }
0x96: {  	_ =	strace s3  }
0x97: {  	_ =	strace $0x8FFFFFFF  }
0x98: {  	s19 =	sld [smem:$0x3FDB];
	_ =	sdelay $0x1  }
0x99: {  	s4 =	simm.s32 $_scs_section_size  }
0x9a: {  	s5 =	simm.s32 $_size__tile_overlayer_lowered;
	s6 =	simm.s32 $_tile_overlayer_lowered  }
0x9b: {  	s22 =	simm.s32 $0x1BFF;
	s21 =	sshll.u32 s6, $0x1;
	s3 =	sadd.s32 s4, s19  }
0x9c: {  	s7 =	simm.s32 $0x0;
	s20 =	sshll.u32 s5, $0x1;
	s5 =	sadd.s32 s21, s3  }
0x9d: {  	[timem:s7], [sflag:s22] =	dma.local [hbm:s5], s20  }
0x9e: {  	_ =	swait.ge [sflag:s22], s20  }
0x9f: {  	s4 =	ssub.s32 $0x0, s20;
	[sflag:s22] =	ssyncset.done $0x0  }
0xa0: {  	[sflag:s22] =	ssyncadd.s32 s4;
	_ =	sdelay $0x1  }
0xa1: {  	s23 =	simm.s32 $0x1B8B  }
0xa2: {  	_ =	swait.ge [sflag:s23], $0x1  }
0xa3: {  	[sflag:s23] =	ssyncset.done $0x0  }
0xa4: {  	s25 =	simm.s32 $0x1B8E;
	s24 =	sld [smem:$0x3FFE];
	[sflag:s23] =	ssyncadd.s32 $0xFFFFFFFF  }
0xa5: {  	s26 =	simm.s32 $execute0_lowered;
	[smem:$0x3FD2] =	sst s25  }
0xa6: {  	s5 =	sshll.u32 s26, $0x1;
	_ =	strace $0x80000049;
	[dreg:$0x1] =	wrdreg $0xFFFFFFFF  }
0xa7: {  	s28 =	simm.s32 $_size_execute0_lowered;
	s3 =	sadd.s32 s3, s5;
	[dreg:$0x0] =	wrdreg $0x0  }
0xa8: {  	s5 =	sshll.u32 s28, $0x1;
	[dreg:$0x2] =	wrdreg s3  }
0xa9: {  	[dreg:$0x3] =	wrdreg s5  }
0xaa: {  	[dreg:$0x4] =	wrdreg $0xC0  }
0xab: {  	_ =	task [dreg:s7], $0x5FFFF  }
0xac: {  	[dreg:$0x1] =	wrdreg $0xFFFFFFFF  }
0xad: {  	[dreg:$0x0] =	wrdreg $0x60  }
0xae: {  	[dreg:$0x2] =	wrdreg s24  }
0xaf: {  	[dreg:$0x3] =	wrdreg s2  }
0xb0: {  	[dreg:$0x4] =	wrdreg $0x41000  }
0xb1: {  	[dreg:$0x5] =	wrdreg $0x9  }
0xb2: {  	_ =	task.clear_ibuf [dreg:s7], $0x6FFFF;
	_ =	strace $0x90000049  }
0xb3: {  	s29 =	simm.s32 $0x9;
	_ =	strace $0x8000004B  }
0xb4: {  	_ =	swait.ge [sflag:s29], $0x1  }
0xb5: {  	[sflag:s29] =	ssyncadd.s32 $0xFFFFFFFF  }
0xb6: {  	_ =	strace $0x9000004B  }
0xb7: {  	_ =	sfence  }
0xb8: {  	s30 =	sld [smem:$0x0];
	_ =	sdelay $0x2  }
0xb9: {  	s31 =	sshll.u32 s1, $0xD;
	s1 =	sshrl.u32 s1, $0x2  }
0xba: {  	s3 =	sand.u32 $0x4000, s31;
	s1 =	sadd.s32 s1, s30  }
0xbb: {  	s0 =	sor.u32 s3, s0;
	s1 =	sshll.u32 s1, $0x11  }
0xbc: {  	s0 =	sor.u32 s1, s0  }
0xbd: {  	s0 =	sadd.s32 $0x8F2B, s0  }
0xbe: {  	[sflag:s0] =	ssyncadd.remote.s32 $0x1  }
0xbf: {  	_ =	sfence.sel $0xFFFF  }
0xc0: {  	[dreg:$0x0] =	wrdreg $0xFFFFFFFF;
	(pc) =	sbr.abs _section_cstart, $3  }
0xc1: {  	[dreg:$0x1] =	wrdreg $0xFFFFFFFF  }
0xc2: {  	_ =	task.clear_ibuf [dreg:s7], $0x2FFFF;
	_ =	strace $0x9FFFFFFF  }
0xc3: {  	(tm) =	ssettm $0x7FFFFFFF  }
tec
execute0_lowered:
.L_overlay_start_1:
0x0: {  	(tag) =	ssettag $0x1  }
0x1: {  	s7 =	rddreg [dreg:$0x0]  }
0x2: {  	s8 =	rddreg [dreg:$0x1]  }
0x3: {  	s2 =	rddreg [dreg:$0x2]  }
0x4: {  	s0 =	rddreg [dreg:$0x3]  }
0x5: {  	s4 =	srdreg.scid;
	s1 =	stileid.u32  }
0x6: {  	s3 =	simm.s32 $0x0;
	s16 =	simm.s32 $0x1;
	s10 =	smul.u32 $0x14000, s1  }
0x7: {  	s17 =	simm.s32 $0x0;
	s9 =	sand.u32 $0x1, s4;
	s13 =	smul.u32 $0x50000, s1  }
0x8: {  	[smem:$0x7FF] =	sst s3;
	s4 =	sadd.s32 $0xE200, s7;
	s14 =	smul.u32 $0x2800, s1  }
0x9: {  	s5 =	sadd.s32 $0x5EA00, s7;
	s31 =	sshll.u32 s1, $0x6;
	s6 =	smul.u32 $0x140000, s9  }
0xa: {  	_ =	strace $0x8000004A;
	s12 =	ssub.s32 $0x2, s9;
	s9 =	smul.u32 $0x28000, s9  }
0xb: {  	s29 =	sshrl.u32 s12, $0x1;
	s30 =	sshrl.u32 s13, $0x2;
	s13 =	simm.s32 $0x2  }
0xc: {  	s6 =	sadd.s32 s10, s6;
	s12 =	ssub.s32 s12, s29;
	s10 =	sshrl.u32 s10, $0x3  }
0xd: {  	s15 =	sadd.s32 s30, s2;
	s9 =	sadd.s32 s14, s9;
	s11 =	sshrl.u32 s6, $0x3  }
0xe: {  	s14 =	simm.s32 $0x80;
	s6 =	sadd.s32 $0x4200, s7;
	s11 =	sadd.s32 s11, s7  }
0xf: {  	s7 =	sadd.s32 s8, s10;
	s8 =	sor.u32 $0x1C02, s31;
	s10 =	sadd.s32 $0x68A00, s11  }
0x10: {  	s11 =	smax.u32 s12, $0x1;
	s12 =	sshrl.u32 s15, $0x3;
	s15 =	simm.s32 $0x100  }
.LBB2_1:
0x11: {  	[spmem:s12], [sflag:s8] =	dma.local [hbm:s7], $0x2800  }
0x12: {  	s18 =	sand.u32 $0x3C00, s3  }
0x13: {  	s19 =	sand.u32 $0x380, s3;
	_ =	swait.ge [sflag:s13], $0x2800;
	s18 =	sadd.s32 s18, s9  }
0x14: {  	[sflag:s13] =	ssyncset.done $0x0;
	s18 =	sor.u32 s19, s18  }
0x15: {  	[sflag:s13] =	ssyncadd.s32 $0xFFFFD800;
	s18 =	sshrl.u32 s18, $0x3  }
0x16: {  	[bflag:$0x0] =	sbarrier.arrive $0xFFFF;
	s29 =	sadd.s32 s5, s18  }
0x17: {  	[tilespmem:s3], [sflag:$0x2] =	stream.linear.gather [hbm4b:s29+s3], $0x80, $0x38;
	[tilespmem:$0x18100] =	vst v63  }
0x18: {  	_ =	swait.ge [sflag:s13], $0x80  }
0x19: {  	[sflag:s13] =	ssyncset.done $0x0  }
0x1a: {  	s18 =	sadd.s32 s6, s18;
	[sflag:s13] =	ssyncadd.s32 $0xFFFFFF80  }
0x1b: {  	[tilespmem:s14], [sflag:$0x2] =	stream.linear.gather [hbm4b:s18+s3], $0x80, $0x38;
	[tilespmem:$0x18100] =	vst v63  }
0x1c: {  	_ =	swait.ge [sflag:s13], $0x80  }
0x1d: {  	[sflag:s13] =	ssyncset.done $0x0  }
0x1e: {  	[sflag:s13] =	ssyncadd.s32 $0xFFFFFF80  }
0x1f: {  	[tilespmem:s15], [sflag:$0x1] =	stream.indirect.gather [hbm4b:s4+s14], $0x80, s3, s14, $0xb8;
	[tilespmem:$0x18100] =	vst v63  }
0x20: {  	_ =	swait.ge [sflag:s16], $0x4000  }
0x21: {  	s30 =	simm.s32 $0x80;
	[sflag:s16] =	ssyncset.done $0x0  }
0x22: {  	s31 =	sand.u32 $0x3C00, s30;
	[sflag:s16] =	ssyncadd.s32 $0xFFFFC000  }
0x23: {  	[spmem:s2] =	stream.indirect.scatter.add.f32 [tilespmem:s15], [sflag:$0x2], $0x80, s14, s14, $0xb8;
	[tilespmem:$0x18100] =	vst v63  }
0x24: {  	s20 =	sand.u32 $0x380, s30;
	s19 =	sadd.s32 s31, s9;
	_ =	swait.ge [sflag:s13], $0x4000  }
0x25: {  	s19 =	sor.u32 s20, s19;
	s18 =	simm.s32 $0x100;
	[sflag:s13] =	ssyncset.done $0x0  }
.LBB2_2:
0x26: {  	s19 =	sshrl.u32 s19, $0x3  }
0x27: {  	[sflag:s13] =	ssyncadd.s32 $0xFFFFC000;
	s20 =	smov.u32 s18;
	s21 =	sadd.s32 $0x80, s18  }
0x28: {  	p0 =	sne.s32 s18, $0x2700;
	s18 =	sadd.s32 s5, s19  }
0x29: {  	[tilespmem:s3], [sflag:$0x2] =	stream.linear.gather [hbm4b:s18+s3], $0x80, $0x38;
	[tilespmem:$0x18100] =	vst v63  }
0x2a: {  	_ =	swait.ge [sflag:s13], $0x80  }
0x2b: {  	[sflag:s13] =	ssyncset.done $0x0  }
0x2c: {  	s18 =	sadd.s32 s6, s19;
	[sflag:s13] =	ssyncadd.s32 $0xFFFFFF80  }
0x2d: {  	[tilespmem:s14], [sflag:$0x2] =	stream.linear.gather [hbm4b:s18+s3], $0x80, $0x38;
	[tilespmem:$0x18100] =	vst v63  }
0x2e: {  	_ =	swait.ge [sflag:s13], $0x80  }
0x2f: {  	[sflag:s13] =	ssyncset.done $0x0  }
0x30: {  	[sflag:s13] =	ssyncadd.s32 $0xFFFFFF80  }
0x31: {  	[tilespmem:s15], [sflag:$0x1] =	stream.indirect.gather [hbm4b:s4+s14], $0x80, s3, s14, $0xb8;
	[tilespmem:$0x18100] =	vst v63  }
0x32: {  	_ =	swait.ge [sflag:s16], $0x4000  }
.Ltmp0:
0x33: {  	[sflag:s16] =	ssyncset.done $0x0;
	(pc) =	sbr.rel @p0 .LBB2_2-.Ltmp0, $4  }
0x34: {  	s18 =	sand.u32 $0x3C00, s20;
	[sflag:s16] =	ssyncadd.s32 $0xFFFFC000  }
0x35: {  	[spmem:s2] =	stream.indirect.scatter.add.f32 [tilespmem:s15], [sflag:$0x2], $0x80, s14, s14, $0xb8;
	[tilespmem:$0x18100] =	vst v63  }
0x36: {  	s19 =	sand.u32 $0x380, s20;
	s18 =	sadd.s32 s18, s9;
	_ =	swait.ge [sflag:s13], $0x4000  }
0x37: {  	s19 =	sor.u32 s19, s18;
	s18 =	smov.u32 s21;
	[sflag:s13] =	ssyncset.done $0x0  }
0x38: {  	s18 =	sshrl.u32 s19, $0x3  }
0x39: {  	[sflag:s13] =	ssyncadd.s32 $0xFFFFC000;
	s19 =	sadd.s32 s5, s18  }
0x3a: {  	[tilespmem:s3], [sflag:$0x2] =	stream.linear.gather [hbm4b:s19+s3], $0x80, $0x38;
	[tilespmem:$0x18100] =	vst v63  }
0x3b: {  	_ =	swait.ge [sflag:s13], $0x80  }
0x3c: {  	[sflag:s13] =	ssyncset.done $0x0  }
0x3d: {  	s18 =	sadd.s32 s6, s18;
	[sflag:s13] =	ssyncadd.s32 $0xFFFFFF80  }
0x3e: {  	[tilespmem:s14], [sflag:$0x2] =	stream.linear.gather [hbm4b:s18+s3], $0x80, $0x38;
	[tilespmem:$0x18100] =	vst v63  }
0x3f: {  	_ =	swait.ge [sflag:s13], $0x80  }
0x40: {  	[sflag:s13] =	ssyncset.done $0x0  }
0x41: {  	[sflag:s13] =	ssyncadd.s32 $0xFFFFFF80  }
0x42: {  	[tilespmem:s15], [sflag:$0x1] =	stream.indirect.gather [hbm4b:s4+s14], $0x80, s3, s14, $0xb8;
	[tilespmem:$0x18100] =	vst v63  }
0x43: {  	_ =	swait.ge [sflag:s16], $0x4000  }
0x44: {  	[sflag:s16] =	ssyncset.done $0x0  }
0x45: {  	[sflag:s16] =	ssyncadd.s32 $0xFFFFC000  }
0x46: {  	[spmem:s2] =	stream.indirect.scatter.add.f32 [tilespmem:s15], [sflag:$0x2], $0x80, s14, s14, $0xb8;
	[tilespmem:$0x18100] =	vst v63  }
0x47: {  	_ =	swait.ge [sflag:s13], $0x4000  }
0x48: {  	s17 =	sadd.s32 $0x1, s17;
	[sflag:s13] =	ssyncset.done $0x0  }
0x49: {  	p0 =	sne.s32 s17, s11;
	[sflag:s13] =	ssyncadd.s32 $0xFFFFC000  }
.Ltmp1:
0x4a: {  	[bflag:$0x0] =	sbarrier.arrive $0xFFFF;
	(pc) =	sbr.rel @p0 .LBB2_1-.Ltmp1, $4  }
0x4b: {  	[hbm:s10], [sflag:s8] =	dma.local [spmem:s12], $0x2800  }
0x4c: {  	_ =	swait.ge [sflag:s13], $0x2800  }
0x4d: {  	[sflag:s13] =	ssyncset.done $0x0  }
0x4e: {  	[sflag:s13] =	ssyncadd.s32 $0xFFFFD800  }
0x4f: {  	_ =	sfence.sel $0x180000  }
0x50: {  	[bflag:$0x0] =	sbarrier.arrive $0xFFFF  }
0x51: {  	p0 =	sne.s32 s1, $0x0;
	_ =	strace $0x9000004A  }
0x52: {  	s0 =	sadd.s32 @!p0 $0x100000, s0;
	[bflag:$0x2] =	sbarrier.arrive $0xFFFF  }
0x53: {  	[sflag:s0] =	ssyncadd.tile.s32 @!p0 $0x1;
	_ =	shalt  }
.Lfunc_end2:
_tile_overlayer_lowered:
.L_overlay_start_2:
0x54: {  	(tag) =	ssettag $0x2  }
0x55: {  	s0 =	rddreg [dreg:$0x0];
	s2 =	stileid.u32  }
0x56: {  	s1 =	rddreg [dreg:$0x1];
	p0 =	sne.s32 s2, $0x0  }
0x57: {  	s3 =	rddreg [dreg:$0x2];
	[bflag:$0x3] =	sbarrier.arrive $0xFFFF;
	s2 =	simm.s32 @!p0 $0x1C02  }
0x58: {  	[timem:s3], [sflag:s2] =	dma.local @!p0 [hbm:s0], s1  }
0x59: {  	s0 =	simm.s32 @!p0 $0x2  }
0x5a: {  	_ =	swait.ge @!p0 [sflag:s0], s1  }
0x5b: {  	s1 =	ssub.s32 @!p0 $0x0, s1;
	[sflag:s0] =	ssyncset.done @!p0 $0x0  }
0x5c: {  	[sflag:s0] =	ssyncadd.s32 @!p0 s1  }
0x5d: {  	[bflag:$0x3] =	sbarrier.arrive $0xFFFF  }
0x5e: {  	_ =	shalt  }

// kernel: kernel.18.cloned.1.call-start
scs
__scs_entry_jumppad:
0x0: {  	(pc) =	sbr.rel $0x88, $3  }
0x1: {  	(tag) =	ssettag $0x0;
	lr =	simm.s32 $0x1  }
0x2: {  	[smem:$0x3F96] =	sst lr;
	_ =	strace $0xD0000000  }
0x3: {  	_ = 	snop  }
0x4: {  	_ = 	snop  }
0x5: {  	_ = 	snop  }
0x6: {  	_ = 	snop  }
0x7: {  	_ = 	snop  }
__scs_overlays_trampoline_lowered:
0x8: {  	[smem:$0x3FA5] =	sst s0  }
0x9: {  	[smem:$0x3FA6] =	sst s1  }
0xa: {  	[smem:$0x3FA7] =	sst s2  }
0xb: {  	[smem:$0x3FA8] =	sst s3  }
0xc: {  	[smem:$0x3FA9] =	sst s4  }
0xd: {  	[smem:$0x3FAA] =	sst s5  }
0xe: {  	[smem:$0x3FAB] =	sst s6  }
0xf: {  	[smem:$0x3FAC] =	sst s7  }
0x10: {  	[smem:$0x3FAD] =	sst s8  }
0x11: {  	[smem:$0x3FAE] =	sst s9;
	s0 =	simm.s32 @!p0 $0x0  }
0x12: {  	s1 =	sld [smem:$0x3F94];
	s0 =	simm.s32 @p0 $0x1  }
0x13: {  	[smem:$0x3FAF] =	sst s0;
	s0 =	simm.s32 @!p1 $0x0  }
0x14: {  	s2 =	sld [smem:$0x3F93];
	s0 =	simm.s32 @p1 $0x1  }
0x15: {  	[smem:$0x3FB0] =	sst s0;
	s0 =	simm.s32 @!p2 $0x0  }
0x16: {  	s3 =	sld [smem:$0x3FDB];
	s0 =	simm.s32 @p2 $0x1  }
0x17: {  	s4 =	simm.s32 $0x1BF5;
	[smem:$0x3FB2] =	sst s0  }
0x18: {  	s0 =	sld [smem:$0x3F95];
	_ =	swait.ge [sflag:s4], $0x0  }
0x19: {  	s7 =	sld [smem:$0x3F96]  }
0x1a: {  	s8 =	sadd.s32 $0xFFFFE003, lr  }
0x1b: {  	s9 =	sadd.s32 $0xFFFFFEF7, lr;
	s5 =	simm.s32 $0xFFFFFFFF;
	p2 =	slt.u32 s8, $0xFFFFF086  }
0x1c: {  	p1 =	slt.u32 s9, $0xF7A;
	s5 =	simm.s32 @!p2 $0x0  }
0x1d: {  	s5 =	simm.s32 @p1 $0x1;
	p0 =	seq.s32 s7, s2  }
0x1e: {  	s7 =	smul.u32 @!p0 $0xF7A, s2;
	p2 =	seq.s32 @!p0 s5, $0x0  }
0x1f: {  	s9 =	smul.u32 $0xF7A, s1;
	s8 =	simm.s32 @!p0 $0x1BF5;
	p2 =	por !p2, p0  }
0x20: {  	[sflag:s8] =	ssyncset.s32 @!p0 $0xFFFFF086;
	s6 =	sadd.s32 @!p0 s3, s7;
	s7 =	simm.s32 @!p0 $0x108  }
0x21: {  	s3 =	sadd.s32 s3, s9;
	s6 =	sadd.s32 @!p0 $0x88, s6;
	s7 =	simm.s32 @p2 $0x1082  }
0x22: {  	[simem:s7], [sflag:s8] =	dma.local @!p0 [hbm:s6], $0xF7A  }
0x23: {  	s9 =	sor.u32 $0xD0000000, s2;
	s6 =	simm.s32 $0x108;
	_ =	swait.ge @!p0 [sflag:s8], $0x0  }
0x24: {  	s3 =	sadd.s32 $0x88, s3;
	s6 =	simm.s32 @!p1 $0x1082;
	[sflag:s4] =	ssyncset.s32 $0xFFFFF086  }
0x25: {  	[simem:s6], [sflag:s4] =	dma.local [hbm:s3], $0xF7A  }
0x26: {  	[smem:$0x3F96] =	sst s1;
	(tag) =	ssettag s2;
	_ =	strace s9  }
0x27: {  	s1 =	sld [smem:$0x3FA6]  }
0x28: {  	s2 =	sld [smem:$0x3FA7]  }
0x29: {  	s4 =	sld [smem:$0x3FA9]  }
0x2a: {  	p0 =	seq.s32 s5, $0x0;
	s5 =	sld [smem:$0x3FAA]  }
0x2b: {  	s6 =	sld [smem:$0x3FAB]  }
0x2c: {  	s7 =	sld [smem:$0x3FAC]  }
0x2d: {  	s3 =	simm.s32 $0x108;
	s8 =	sld [smem:$0x3FAD]  }
0x2e: {  	s3 =	simm.s32 @!p0 $0x1082;
	s9 =	sld [smem:$0x3FAE]  }
0x2f: {  	lr =	sadd.s32 s0, s3;
	s0 =	sld [smem:$0x3FA5]  }
0x30: {  	s3 =	sld [smem:$0x3FA8]  }
0x31: {  	[smem:$0x3FB1] =	sst s10  }
0x32: {  	s10 =	sld [smem:$0x3FAF];
	_ =	sdelay $0x3  }
0x33: {  	p0 =	seq.s32 s10, $0x1;
	s10 =	sld [smem:$0x3FB1];
	_ =	sdelay $0x3  }
0x34: {  	[smem:$0x3FB1] =	sst s10  }
0x35: {  	s10 =	sld [smem:$0x3FB0];
	_ =	sdelay $0x3  }
0x36: {  	p1 =	seq.s32 s10, $0x1;
	s10 =	sld [smem:$0x3FB1];
	_ =	sdelay $0x3  }
0x37: {  	[smem:$0x3FB1] =	sst s10  }
0x38: {  	s10 =	sld [smem:$0x3FB2]  }
0x39: {  	_ = 	snop;
	(pc) =	sbr.ind lr, $3  }
0x3a: {  	_ = 	snop  }
0x3b: {  	_ = 	snop  }
0x3c: {  	p2 =	seq.s32 s10, $0x1;
	s10 =	sld [smem:$0x3FB1]  }
0x3d: {  	_ =	shalt  }
0x3e: {  	_ =	shalt  }
0x3f: {  	_ =	shalt  }
0x40: {  	_ =	shalt  }
0x41: {  	_ =	shalt  }
0x42: {  	_ =	shalt  }
0x43: {  	_ =	shalt  }
0x44: {  	_ =	shalt  }
0x45: {  	_ =	shalt  }
0x46: {  	_ =	shalt  }
0x47: {  	_ =	shalt  }
0x48: {  	_ =	shalt  }
0x49: {  	_ =	shalt  }
0x4a: {  	_ =	shalt  }
0x4b: {  	_ =	shalt  }
0x4c: {  	_ =	shalt  }
0x4d: {  	_ =	shalt  }
0x4e: {  	_ =	shalt  }
0x4f: {  	_ =	shalt  }
0x50: {  	_ =	shalt  }
0x51: {  	_ =	shalt  }
0x52: {  	_ =	shalt  }
0x53: {  	_ =	shalt  }
0x54: {  	_ =	shalt  }
0x55: {  	_ =	shalt  }
0x56: {  	_ =	shalt  }
0x57: {  	_ =	shalt  }
0x58: {  	_ =	shalt  }
0x59: {  	_ =	shalt  }
0x5a: {  	_ =	shalt  }
0x5b: {  	_ =	shalt  }
0x5c: {  	_ =	shalt  }
0x5d: {  	_ =	shalt  }
0x5e: {  	_ =	shalt  }
0x5f: {  	_ =	shalt  }
0x60: {  	_ =	shalt  }
0x61: {  	_ =	shalt  }
0x62: {  	_ =	shalt  }
0x63: {  	_ =	shalt  }
0x64: {  	_ =	shalt  }
0x65: {  	_ =	shalt  }
0x66: {  	_ =	shalt  }
0x67: {  	_ =	shalt  }
0x68: {  	_ =	shalt  }
0x69: {  	_ =	shalt  }
0x6a: {  	_ =	shalt  }
0x6b: {  	_ =	shalt  }
0x6c: {  	_ =	shalt  }
0x6d: {  	_ =	shalt  }
0x6e: {  	_ =	shalt  }
0x6f: {  	_ =	shalt  }
0x70: {  	_ =	shalt  }
0x71: {  	_ =	shalt  }
0x72: {  	_ =	shalt  }
0x73: {  	_ =	shalt  }
0x74: {  	_ =	shalt  }
0x75: {  	_ =	shalt  }
0x76: {  	_ =	shalt  }
0x77: {  	_ =	shalt  }
0x78: {  	_ =	shalt  }
0x79: {  	_ =	shalt  }
0x7a: {  	_ =	shalt  }
0x7b: {  	_ =	shalt  }
0x7c: {  	_ =	shalt  }
0x7d: {  	_ =	shalt  }
0x7e: {  	_ =	shalt  }
0x7f: {  	_ =	shalt  }
0x80: {  	_ =	shalt  }
0x81: {  	_ =	shalt  }
0x82: {  	_ =	shalt  }
0x83: {  	_ =	shalt  }
0x84: {  	_ =	shalt  }
0x85: {  	_ =	shalt  }
0x86: {  	_ =	shalt  }
0x87: {  	_ =	shalt  }
.Lfunc_end0:
.L_simem_size_0:
called_computation.2_lowered:
.L_overlay_start_0:
0x88: {  	s2 =	sld [smem:$0x3FD9]  }
0x89: {  	s3 =	sld [smem:$0x3FFE];
	_ =	sdelay $0x1  }
0x8a: {  	s1 =	srdreg.scid  }
0x8b: {  	s0 =	sand.u32 $0x1, s1  }
0x8c: {  	s17 =	sshll.u32 s0, $0xA;
	s2 =	sadd.s32 s3, s2  }
0x8d: {  	s2 =	sadd.s32 s2, s17  }
0x8e: {  	[smem:$0x3FBD] =	sst s2  }
0x8f: {  	_ = 	snop  }
0x90: {  	s2 =	sld [smem:$0x3FD0];
	(tm) =	ssettm $0x1  }
0x91: {  	s18 =	sld [smem:$0x3FFB];
	_ =	sdelay $0x3  }
0x92: {  	_ =	strace s18  }
0x93: {  	s3 =	sld [smem:$0x3FFC];
	_ =	sdelay $0x3  }
0x94: {  	_ =	strace s3  }
0x95: {  	s3 =	sld [smem:$0x3FFD];
	_ =	sdelay $0x3  }
0x96: {  	_ =	strace s3  }
0x97: {  	_ =	strace $0x8FFFFFFF  }
0x98: {  	s19 =	sld [smem:$0x3FDB];
	_ =	sdelay $0x1  }
0x99: {  	s4 =	simm.s32 $_scs_section_size  }
0x9a: {  	s5 =	simm.s32 $_size__tile_overlayer_lowered;
	s6 =	simm.s32 $_tile_overlayer_lowered  }
0x9b: {  	s22 =	simm.s32 $0x1BFF;
	s21 =	sshll.u32 s6, $0x1;
	s3 =	sadd.s32 s4, s19  }
0x9c: {  	s7 =	simm.s32 $0x0;
	s20 =	sshll.u32 s5, $0x1;
	s5 =	sadd.s32 s21, s3  }
0x9d: {  	[timem:s7], [sflag:s22] =	dma.local [hbm:s5], s20  }
0x9e: {  	_ =	swait.ge [sflag:s22], s20  }
0x9f: {  	s4 =	ssub.s32 $0x0, s20;
	[sflag:s22] =	ssyncset.done $0x0  }
0xa0: {  	[sflag:s22] =	ssyncadd.s32 s4;
	_ =	sdelay $0x1  }
0xa1: {  	s23 =	simm.s32 $0x1B8B  }
0xa2: {  	_ =	swait.ge [sflag:s23], $0x1  }
0xa3: {  	[sflag:s23] =	ssyncset.done $0x0  }
0xa4: {  	s25 =	simm.s32 $0x1B8E;
	s24 =	sld [smem:$0x3FFE];
	[sflag:s23] =	ssyncadd.s32 $0xFFFFFFFF  }
0xa5: {  	s26 =	simm.s32 $execute0_lowered;
	[smem:$0x3FD2] =	sst s25  }
0xa6: {  	s5 =	sshll.u32 s26, $0x1;
	_ =	strace $0x8000004C;
	[dreg:$0x1] =	wrdreg $0xFFFFFFFF  }
0xa7: {  	s28 =	simm.s32 $_size_execute0_lowered;
	s3 =	sadd.s32 s3, s5;
	[dreg:$0x0] =	wrdreg $0x0  }
0xa8: {  	s5 =	sshll.u32 s28, $0x1;
	[dreg:$0x2] =	wrdreg s3  }
0xa9: {  	[dreg:$0x3] =	wrdreg s5  }
0xaa: {  	[dreg:$0x4] =	wrdreg $0xC0  }
0xab: {  	_ =	task [dreg:s7], $0x5FFFF  }
0xac: {  	[dreg:$0x1] =	wrdreg $0xFFFFFFFF  }
0xad: {  	[dreg:$0x0] =	wrdreg $0x60  }
0xae: {  	[dreg:$0x2] =	wrdreg s24  }
0xaf: {  	[dreg:$0x3] =	wrdreg s2  }
0xb0: {  	[dreg:$0x4] =	wrdreg $0x41000  }
0xb1: {  	[dreg:$0x5] =	wrdreg $0x9  }
0xb2: {  	_ =	task.clear_ibuf [dreg:s7], $0x6FFFF;
	_ =	strace $0x9000004C  }
0xb3: {  	s29 =	simm.s32 $0x9;
	_ =	strace $0x8000004E  }
0xb4: {  	_ =	swait.ge [sflag:s29], $0x1  }
0xb5: {  	[sflag:s29] =	ssyncadd.s32 $0xFFFFFFFF  }
0xb6: {  	_ =	strace $0x9000004E  }
0xb7: {  	_ =	sfence  }
0xb8: {  	s30 =	sld [smem:$0x0];
	_ =	sdelay $0x2  }
0xb9: {  	s31 =	sshll.u32 s1, $0xD;
	s1 =	sshrl.u32 s1, $0x2  }
0xba: {  	s3 =	sand.u32 $0x4000, s31;
	s1 =	sadd.s32 s1, s30  }
0xbb: {  	s0 =	sor.u32 s3, s0;
	s1 =	sshll.u32 s1, $0x11  }
0xbc: {  	s0 =	sor.u32 s1, s0  }
0xbd: {  	s0 =	sadd.s32 $0x8F2B, s0  }
0xbe: {  	[sflag:s0] =	ssyncadd.remote.s32 $0x1  }
0xbf: {  	_ =	sfence.sel $0xFFFF  }
0xc0: {  	[dreg:$0x0] =	wrdreg $0xFFFFFFFF;
	(pc) =	sbr.abs _section_cstart, $3  }
0xc1: {  	[dreg:$0x1] =	wrdreg $0xFFFFFFFF  }
0xc2: {  	_ =	task.clear_ibuf [dreg:s7], $0x2FFFF;
	_ =	strace $0x9FFFFFFF  }
0xc3: {  	(tm) =	ssettm $0x7FFFFFFF  }
tec
execute0_lowered:
.L_overlay_start_1:
0x0: {  	(tag) =	ssettag $0x1  }
0x1: {  	s7 =	rddreg [dreg:$0x0]  }
0x2: {  	s8 =	rddreg [dreg:$0x1]  }
0x3: {  	s2 =	rddreg [dreg:$0x2]  }
0x4: {  	s0 =	rddreg [dreg:$0x3]  }
0x5: {  	s4 =	srdreg.scid;
	s1 =	stileid.u32  }
0x6: {  	s3 =	simm.s32 $0x0;
	s16 =	simm.s32 $0x1;
	s10 =	smul.u32 $0x14000, s1  }
0x7: {  	s17 =	simm.s32 $0x0;
	s9 =	sand.u32 $0x1, s4;
	s13 =	smul.u32 $0x50000, s1  }
0x8: {  	[smem:$0x7FF] =	sst s3;
	s4 =	sadd.s32 $0x19E200, s7;
	s14 =	smul.u32 $0x5000, s1  }
0x9: {  	s5 =	sadd.s32 $0x36200, s7;
	s31 =	sshll.u32 s1, $0x6;
	s6 =	smul.u32 $0x140000, s9  }
0xa: {  	_ =	strace $0x8000004D;
	s12 =	ssub.s32 $0x2, s9;
	s9 =	smul.u32 $0x50000, s9  }
0xb: {  	s29 =	sshrl.u32 s12, $0x1;
	s30 =	sshrl.u32 s13, $0x2;
	s13 =	simm.s32 $0x2  }
0xc: {  	s6 =	sadd.s32 s10, s6;
	s12 =	ssub.s32 s12, s29;
	s10 =	sshrl.u32 s10, $0x3  }
0xd: {  	s15 =	sadd.s32 s30, s2;
	s9 =	sadd.s32 s14, s9;
	s11 =	sshrl.u32 s6, $0x3  }
0xe: {  	s14 =	simm.s32 $0x80;
	s6 =	sadd.s32 $0x4A200, s7;
	s11 =	sadd.s32 s11, s7  }
0xf: {  	s7 =	sadd.s32 s8, s10;
	s8 =	sor.u32 $0x1C02, s31;
	s10 =	sadd.s32 $0x1EE200, s11  }
0x10: {  	s11 =	smax.u32 s12, $0x1;
	s12 =	sshrl.u32 s15, $0x3;
	s15 =	simm.s32 $0x100  }
.LBB2_1:
0x11: {  	[spmem:s12], [sflag:s8] =	dma.local [hbm:s7], $0x2800  }
0x12: {  	s18 =	sand.u32 $0x7C00, s3  }
0x13: {  	s19 =	sand.u32 $0x380, s3;
	_ =	swait.ge [sflag:s13], $0x2800;
	s18 =	sadd.s32 s18, s9  }
0x14: {  	[sflag:s13] =	ssyncset.done $0x0;
	s18 =	sor.u32 s19, s18  }
0x15: {  	[sflag:s13] =	ssyncadd.s32 $0xFFFFD800;
	s18 =	sshrl.u32 s18, $0x3  }
0x16: {  	[bflag:$0x0] =	sbarrier.arrive $0xFFFF;
	s29 =	sadd.s32 s5, s18  }
0x17: {  	[tilespmem:s3], [sflag:$0x2] =	stream.linear.gather [hbm4b:s29+s3], $0x80, $0x38;
	[tilespmem:$0x18100] =	vst v63  }
0x18: {  	_ =	swait.ge [sflag:s13], $0x80  }
0x19: {  	[sflag:s13] =	ssyncset.done $0x0  }
0x1a: {  	s18 =	sadd.s32 s6, s18;
	[sflag:s13] =	ssyncadd.s32 $0xFFFFFF80  }
0x1b: {  	[tilespmem:s14], [sflag:$0x2] =	stream.linear.gather [hbm4b:s18+s3], $0x80, $0x38;
	[tilespmem:$0x18100] =	vst v63  }
0x1c: {  	_ =	swait.ge [sflag:s13], $0x80  }
0x1d: {  	[sflag:s13] =	ssyncset.done $0x0  }
0x1e: {  	[sflag:s13] =	ssyncadd.s32 $0xFFFFFF80  }
0x1f: {  	[tilespmem:s15], [sflag:$0x1] =	stream.indirect.gather [hbm4b:s4+s14], $0x80, s3, s14, $0xb8;
	[tilespmem:$0x18100] =	vst v63  }
0x20: {  	_ =	swait.ge [sflag:s16], $0x4000  }
0x21: {  	s30 =	simm.s32 $0x80;
	[sflag:s16] =	ssyncset.done $0x0  }
0x22: {  	s31 =	sand.u32 $0x7C00, s30;
	[sflag:s16] =	ssyncadd.s32 $0xFFFFC000  }
0x23: {  	[spmem:s2] =	stream.indirect.scatter.add.f32 [tilespmem:s15], [sflag:$0x2], $0x80, s14, s14, $0xb8;
	[tilespmem:$0x18100] =	vst v63  }
0x24: {  	s20 =	sand.u32 $0x380, s30;
	s19 =	sadd.s32 s31, s9;
	_ =	swait.ge [sflag:s13], $0x4000  }
0x25: {  	s19 =	sor.u32 s20, s19;
	s18 =	simm.s32 $0x100;
	[sflag:s13] =	ssyncset.done $0x0  }
.LBB2_2:
0x26: {  	s19 =	sshrl.u32 s19, $0x3  }
0x27: {  	[sflag:s13] =	ssyncadd.s32 $0xFFFFC000;
	s20 =	smov.u32 s18;
	s21 =	sadd.s32 $0x80, s18  }
0x28: {  	p0 =	sne.s32 s18, $0x4E00;
	s18 =	sadd.s32 s5, s19  }
0x29: {  	[tilespmem:s3], [sflag:$0x2] =	stream.linear.gather [hbm4b:s18+s3], $0x80, $0x38;
	[tilespmem:$0x18100] =	vst v63  }
0x2a: {  	_ =	swait.ge [sflag:s13], $0x80  }
0x2b: {  	[sflag:s13] =	ssyncset.done $0x0  }
0x2c: {  	s18 =	sadd.s32 s6, s19;
	[sflag:s13] =	ssyncadd.s32 $0xFFFFFF80  }
0x2d: {  	[tilespmem:s14], [sflag:$0x2] =	stream.linear.gather [hbm4b:s18+s3], $0x80, $0x38;
	[tilespmem:$0x18100] =	vst v63  }
0x2e: {  	_ =	swait.ge [sflag:s13], $0x80  }
0x2f: {  	[sflag:s13] =	ssyncset.done $0x0  }
0x30: {  	[sflag:s13] =	ssyncadd.s32 $0xFFFFFF80  }
0x31: {  	[tilespmem:s15], [sflag:$0x1] =	stream.indirect.gather [hbm4b:s4+s14], $0x80, s3, s14, $0xb8;
	[tilespmem:$0x18100] =	vst v63  }
0x32: {  	_ =	swait.ge [sflag:s16], $0x4000  }
.Ltmp0:
0x33: {  	[sflag:s16] =	ssyncset.done $0x0;
	(pc) =	sbr.rel @p0 .LBB2_2-.Ltmp0, $4  }
0x34: {  	s18 =	sand.u32 $0x7C00, s20;
	[sflag:s16] =	ssyncadd.s32 $0xFFFFC000  }
0x35: {  	[spmem:s2] =	stream.indirect.scatter.add.f32 [tilespmem:s15], [sflag:$0x2], $0x80, s14, s14, $0xb8;
	[tilespmem:$0x18100] =	vst v63  }
0x36: {  	s19 =	sand.u32 $0x380, s20;
	s18 =	sadd.s32 s18, s9;
	_ =	swait.ge [sflag:s13], $0x4000  }
0x37: {  	s19 =	sor.u32 s19, s18;
	s18 =	smov.u32 s21;
	[sflag:s13] =	ssyncset.done $0x0  }
0x38: {  	s18 =	sshrl.u32 s19, $0x3  }
0x39: {  	[sflag:s13] =	ssyncadd.s32 $0xFFFFC000;
	s19 =	sadd.s32 s5, s18  }
0x3a: {  	[tilespmem:s3], [sflag:$0x2] =	stream.linear.gather [hbm4b:s19+s3], $0x80, $0x38;
	[tilespmem:$0x18100] =	vst v63  }
0x3b: {  	_ =	swait.ge [sflag:s13], $0x80  }
0x3c: {  	[sflag:s13] =	ssyncset.done $0x0  }
0x3d: {  	s18 =	sadd.s32 s6, s18;
	[sflag:s13] =	ssyncadd.s32 $0xFFFFFF80  }
0x3e: {  	[tilespmem:s14], [sflag:$0x2] =	stream.linear.gather [hbm4b:s18+s3], $0x80, $0x38;
	[tilespmem:$0x18100] =	vst v63  }
0x3f: {  	_ =	swait.ge [sflag:s13], $0x80  }
0x40: {  	[sflag:s13] =	ssyncset.done $0x0  }
0x41: {  	[sflag:s13] =	ssyncadd.s32 $0xFFFFFF80  }
0x42: {  	[tilespmem:s15], [sflag:$0x1] =	stream.indirect.gather [hbm4b:s4+s14], $0x80, s3, s14, $0xb8;
	[tilespmem:$0x18100] =	vst v63  }
0x43: {  	_ =	swait.ge [sflag:s16], $0x4000  }
0x44: {  	[sflag:s16] =	ssyncset.done $0x0  }
0x45: {  	[sflag:s16] =	ssyncadd.s32 $0xFFFFC000  }
0x46: {  	[spmem:s2] =	stream.indirect.scatter.add.f32 [tilespmem:s15], [sflag:$0x2], $0x80, s14, s14, $0xb8;
	[tilespmem:$0x18100] =	vst v63  }
0x47: {  	_ =	swait.ge [sflag:s13], $0x4000  }
0x48: {  	s17 =	sadd.s32 $0x1, s17;
	[sflag:s13] =	ssyncset.done $0x0  }
0x49: {  	p0 =	sne.s32 s17, s11;
	[sflag:s13] =	ssyncadd.s32 $0xFFFFC000  }
.Ltmp1:
0x4a: {  	[bflag:$0x0] =	sbarrier.arrive $0xFFFF;
	(pc) =	sbr.rel @p0 .LBB2_1-.Ltmp1, $4  }
0x4b: {  	[hbm:s10], [sflag:s8] =	dma.local [spmem:s12], $0x2800  }
0x4c: {  	_ =	swait.ge [sflag:s13], $0x2800  }
0x4d: {  	[sflag:s13] =	ssyncset.done $0x0  }
0x4e: {  	[sflag:s13] =	ssyncadd.s32 $0xFFFFD800  }
0x4f: {  	_ =	sfence.sel $0x180000  }
0x50: {  	[bflag:$0x0] =	sbarrier.arrive $0xFFFF  }
0x51: {  	p0 =	sne.s32 s1, $0x0;
	_ =	strace $0x9000004D  }
0x52: {  	s0 =	sadd.s32 @!p0 $0x100000, s0;
	[bflag:$0x2] =	sbarrier.arrive $0xFFFF  }
0x53: {  	[sflag:s0] =	ssyncadd.tile.s32 @!p0 $0x1;
	_ =	shalt  }
.Lfunc_end2:
_tile_overlayer_lowered:
.L_overlay_start_2:
0x54: {  	(tag) =	ssettag $0x2  }
0x55: {  	s0 =	rddreg [dreg:$0x0];
	s2 =	stileid.u32  }
0x56: {  	s1 =	rddreg [dreg:$0x1];
	p0 =	sne.s32 s2, $0x0  }
0x57: {  	s3 =	rddreg [dreg:$0x2];
	[bflag:$0x3] =	sbarrier.arrive $0xFFFF;
	s2 =	simm.s32 @!p0 $0x1C02  }
0x58: {  	[timem:s3], [sflag:s2] =	dma.local @!p0 [hbm:s0], s1  }
0x59: {  	s0 =	simm.s32 @!p0 $0x2  }
0x5a: {  	_ =	swait.ge @!p0 [sflag:s0], s1  }
0x5b: {  	s1 =	ssub.s32 @!p0 $0x0, s1;
	[sflag:s0] =	ssyncset.done @!p0 $0x0  }
0x5c: {  	[sflag:s0] =	ssyncadd.s32 @!p0 s1  }
0x5d: {  	[bflag:$0x3] =	sbarrier.arrive $0xFFFF  }
0x5e: {  	_ =	shalt  }

// kernel: kernel.21.cloned.1.call-start
scs
__scs_entry_jumppad:
0x0: {  	(pc) =	sbr.rel $0x88, $3  }
0x1: {  	(tag) =	ssettag $0x0;
	lr =	simm.s32 $0x1  }
0x2: {  	[smem:$0x3F96] =	sst lr;
	_ =	strace $0xD0000000  }
0x3: {  	_ = 	snop  }
0x4: {  	_ = 	snop  }
0x5: {  	_ = 	snop  }
0x6: {  	_ = 	snop  }
0x7: {  	_ = 	snop  }
__scs_overlays_trampoline_lowered:
0x8: {  	[smem:$0x3FA5] =	sst s0  }
0x9: {  	[smem:$0x3FA6] =	sst s1  }
0xa: {  	[smem:$0x3FA7] =	sst s2  }
0xb: {  	[smem:$0x3FA8] =	sst s3  }
0xc: {  	[smem:$0x3FA9] =	sst s4  }
0xd: {  	[smem:$0x3FAA] =	sst s5  }
0xe: {  	[smem:$0x3FAB] =	sst s6  }
0xf: {  	[smem:$0x3FAC] =	sst s7  }
0x10: {  	[smem:$0x3FAD] =	sst s8  }
0x11: {  	[smem:$0x3FAE] =	sst s9;
	s0 =	simm.s32 @!p0 $0x0  }
0x12: {  	s1 =	sld [smem:$0x3F94];
	s0 =	simm.s32 @p0 $0x1  }
0x13: {  	[smem:$0x3FAF] =	sst s0;
	s0 =	simm.s32 @!p1 $0x0  }
0x14: {  	s2 =	sld [smem:$0x3F93];
	s0 =	simm.s32 @p1 $0x1  }
0x15: {  	[smem:$0x3FB0] =	sst s0;
	s0 =	simm.s32 @!p2 $0x0  }
0x16: {  	s3 =	sld [smem:$0x3FDB];
	s0 =	simm.s32 @p2 $0x1  }
0x17: {  	s4 =	simm.s32 $0x1BF5;
	[smem:$0x3FB2] =	sst s0  }
0x18: {  	s0 =	sld [smem:$0x3F95];
	_ =	swait.ge [sflag:s4], $0x0  }
0x19: {  	s7 =	sld [smem:$0x3F96]  }
0x1a: {  	s8 =	sadd.s32 $0xFFFFE003, lr  }
0x1b: {  	s9 =	sadd.s32 $0xFFFFFEF7, lr;
	s5 =	simm.s32 $0xFFFFFFFF;
	p2 =	slt.u32 s8, $0xFFFFF086  }
0x1c: {  	p1 =	slt.u32 s9, $0xF7A;
	s5 =	simm.s32 @!p2 $0x0  }
0x1d: {  	s5 =	simm.s32 @p1 $0x1;
	p0 =	seq.s32 s7, s2  }
0x1e: {  	s7 =	smul.u32 @!p0 $0xF7A, s2;
	p2 =	seq.s32 @!p0 s5, $0x0  }
0x1f: {  	s9 =	smul.u32 $0xF7A, s1;
	s8 =	simm.s32 @!p0 $0x1BF5;
	p2 =	por !p2, p0  }
0x20: {  	[sflag:s8] =	ssyncset.s32 @!p0 $0xFFFFF086;
	s6 =	sadd.s32 @!p0 s3, s7;
	s7 =	simm.s32 @!p0 $0x108  }
0x21: {  	s3 =	sadd.s32 s3, s9;
	s6 =	sadd.s32 @!p0 $0x88, s6;
	s7 =	simm.s32 @p2 $0x1082  }
0x22: {  	[simem:s7], [sflag:s8] =	dma.local @!p0 [hbm:s6], $0xF7A  }
0x23: {  	s9 =	sor.u32 $0xD0000000, s2;
	s6 =	simm.s32 $0x108;
	_ =	swait.ge @!p0 [sflag:s8], $0x0  }
0x24: {  	s3 =	sadd.s32 $0x88, s3;
	s6 =	simm.s32 @!p1 $0x1082;
	[sflag:s4] =	ssyncset.s32 $0xFFFFF086  }
0x25: {  	[simem:s6], [sflag:s4] =	dma.local [hbm:s3], $0xF7A  }
0x26: {  	[smem:$0x3F96] =	sst s1;
	(tag) =	ssettag s2;
	_ =	strace s9  }
0x27: {  	s1 =	sld [smem:$0x3FA6]  }
0x28: {  	s2 =	sld [smem:$0x3FA7]  }
0x29: {  	s4 =	sld [smem:$0x3FA9]  }
0x2a: {  	p0 =	seq.s32 s5, $0x0;
	s5 =	sld [smem:$0x3FAA]  }
0x2b: {  	s6 =	sld [smem:$0x3FAB]  }
0x2c: {  	s7 =	sld [smem:$0x3FAC]  }
0x2d: {  	s3 =	simm.s32 $0x108;
	s8 =	sld [smem:$0x3FAD]  }
0x2e: {  	s3 =	simm.s32 @!p0 $0x1082;
	s9 =	sld [smem:$0x3FAE]  }
0x2f: {  	lr =	sadd.s32 s0, s3;
	s0 =	sld [smem:$0x3FA5]  }
0x30: {  	s3 =	sld [smem:$0x3FA8]  }
0x31: {  	[smem:$0x3FB1] =	sst s10  }
0x32: {  	s10 =	sld [smem:$0x3FAF];
	_ =	sdelay $0x3  }
0x33: {  	p0 =	seq.s32 s10, $0x1;
	s10 =	sld [smem:$0x3FB1];
	_ =	sdelay $0x3  }
0x34: {  	[smem:$0x3FB1] =	sst s10  }
0x35: {  	s10 =	sld [smem:$0x3FB0];
	_ =	sdelay $0x3  }
0x36: {  	p1 =	seq.s32 s10, $0x1;
	s10 =	sld [smem:$0x3FB1];
	_ =	sdelay $0x3  }
0x37: {  	[smem:$0x3FB1] =	sst s10  }
0x38: {  	s10 =	sld [smem:$0x3FB2]  }
0x39: {  	_ = 	snop;
	(pc) =	sbr.ind lr, $3  }
0x3a: {  	_ = 	snop  }
0x3b: {  	_ = 	snop  }
0x3c: {  	p2 =	seq.s32 s10, $0x1;
	s10 =	sld [smem:$0x3FB1]  }
0x3d: {  	_ =	shalt  }
0x3e: {  	_ =	shalt  }
0x3f: {  	_ =	shalt  }
0x40: {  	_ =	shalt  }
0x41: {  	_ =	shalt  }
0x42: {  	_ =	shalt  }
0x43: {  	_ =	shalt  }
0x44: {  	_ =	shalt  }
0x45: {  	_ =	shalt  }
0x46: {  	_ =	shalt  }
0x47: {  	_ =	shalt  }
0x48: {  	_ =	shalt  }
0x49: {  	_ =	shalt  }
0x4a: {  	_ =	shalt  }
0x4b: {  	_ =	shalt  }
0x4c: {  	_ =	shalt  }
0x4d: {  	_ =	shalt  }
0x4e: {  	_ =	shalt  }
0x4f: {  	_ =	shalt  }
0x50: {  	_ =	shalt  }
0x51: {  	_ =	shalt  }
0x52: {  	_ =	shalt  }
0x53: {  	_ =	shalt  }
0x54: {  	_ =	shalt  }
0x55: {  	_ =	shalt  }
0x56: {  	_ =	shalt  }
0x57: {  	_ =	shalt  }
0x58: {  	_ =	shalt  }
0x59: {  	_ =	shalt  }
0x5a: {  	_ =	shalt  }
0x5b: {  	_ =	shalt  }
0x5c: {  	_ =	shalt  }
0x5d: {  	_ =	shalt  }
0x5e: {  	_ =	shalt  }
0x5f: {  	_ =	shalt  }
0x60: {  	_ =	shalt  }
0x61: {  	_ =	shalt  }
0x62: {  	_ =	shalt  }
0x63: {  	_ =	shalt  }
0x64: {  	_ =	shalt  }
0x65: {  	_ =	shalt  }
0x66: {  	_ =	shalt  }
0x67: {  	_ =	shalt  }
0x68: {  	_ =	shalt  }
0x69: {  	_ =	shalt  }
0x6a: {  	_ =	shalt  }
0x6b: {  	_ =	shalt  }
0x6c: {  	_ =	shalt  }
0x6d: {  	_ =	shalt  }
0x6e: {  	_ =	shalt  }
0x6f: {  	_ =	shalt  }
0x70: {  	_ =	shalt  }
0x71: {  	_ =	shalt  }
0x72: {  	_ =	shalt  }
0x73: {  	_ =	shalt  }
0x74: {  	_ =	shalt  }
0x75: {  	_ =	shalt  }
0x76: {  	_ =	shalt  }
0x77: {  	_ =	shalt  }
0x78: {  	_ =	shalt  }
0x79: {  	_ =	shalt  }
0x7a: {  	_ =	shalt  }
0x7b: {  	_ =	shalt  }
0x7c: {  	_ =	shalt  }
0x7d: {  	_ =	shalt  }
0x7e: {  	_ =	shalt  }
0x7f: {  	_ =	shalt  }
0x80: {  	_ =	shalt  }
0x81: {  	_ =	shalt  }
0x82: {  	_ =	shalt  }
0x83: {  	_ =	shalt  }
0x84: {  	_ =	shalt  }
0x85: {  	_ =	shalt  }
0x86: {  	_ =	shalt  }
0x87: {  	_ =	shalt  }
.Lfunc_end0:
.L_simem_size_0:
called_computation.3_lowered:
.L_overlay_start_0:
0x88: {  	s2 =	sld [smem:$0x3FD9]  }
0x89: {  	s3 =	sld [smem:$0x3FFE];
	_ =	sdelay $0x1  }
0x8a: {  	s1 =	srdreg.scid  }
0x8b: {  	s0 =	sand.u32 $0x1, s1  }
0x8c: {  	s17 =	sshll.u32 s0, $0xA;
	s2 =	sadd.s32 s3, s2  }
0x8d: {  	s2 =	sadd.s32 s2, s17  }
0x8e: {  	[smem:$0x3FBD] =	sst s2  }
0x8f: {  	_ = 	snop  }
0x90: {  	s2 =	sld [smem:$0x3FD0];
	(tm) =	ssettm $0x1  }
0x91: {  	s18 =	sld [smem:$0x3FFB];
	_ =	sdelay $0x3  }
0x92: {  	_ =	strace s18  }
0x93: {  	s3 =	sld [smem:$0x3FFC];
	_ =	sdelay $0x3  }
0x94: {  	_ =	strace s3  }
0x95: {  	s3 =	sld [smem:$0x3FFD];
	_ =	sdelay $0x3  }
0x96: {  	_ =	strace s3  }
0x97: {  	_ =	strace $0x8FFFFFFF  }
0x98: {  	s19 =	sld [smem:$0x3FDB];
	_ =	sdelay $0x1  }
0x99: {  	s4 =	simm.s32 $_scs_section_size  }
0x9a: {  	s5 =	simm.s32 $_size__tile_overlayer_lowered;
	s6 =	simm.s32 $_tile_overlayer_lowered  }
0x9b: {  	s22 =	simm.s32 $0x1BFF;
	s21 =	sshll.u32 s6, $0x1;
	s3 =	sadd.s32 s4, s19  }
0x9c: {  	s7 =	simm.s32 $0x0;
	s20 =	sshll.u32 s5, $0x1;
	s5 =	sadd.s32 s21, s3  }
0x9d: {  	[timem:s7], [sflag:s22] =	dma.local [hbm:s5], s20  }
0x9e: {  	_ =	swait.ge [sflag:s22], s20  }
0x9f: {  	s4 =	ssub.s32 $0x0, s20;
	[sflag:s22] =	ssyncset.done $0x0  }
0xa0: {  	[sflag:s22] =	ssyncadd.s32 s4;
	_ =	sdelay $0x1  }
0xa1: {  	s23 =	simm.s32 $0x1B8B  }
0xa2: {  	_ =	swait.ge [sflag:s23], $0x1  }
0xa3: {  	[sflag:s23] =	ssyncset.done $0x0  }
0xa4: {  	s25 =	simm.s32 $0x1B8E;
	s24 =	sld [smem:$0x3FFE];
	[sflag:s23] =	ssyncadd.s32 $0xFFFFFFFF  }
0xa5: {  	s26 =	simm.s32 $execute0_lowered;
	[smem:$0x3FD2] =	sst s25  }
0xa6: {  	s5 =	sshll.u32 s26, $0x1;
	_ =	strace $0x8000004F;
	[dreg:$0x1] =	wrdreg $0xFFFFFFFF  }
0xa7: {  	s28 =	simm.s32 $_size_execute0_lowered;
	s3 =	sadd.s32 s3, s5;
	[dreg:$0x0] =	wrdreg $0x0  }
0xa8: {  	s5 =	sshll.u32 s28, $0x1;
	[dreg:$0x2] =	wrdreg s3  }
0xa9: {  	[dreg:$0x3] =	wrdreg s5  }
0xaa: {  	[dreg:$0x4] =	wrdreg $0xC0  }
0xab: {  	_ =	task [dreg:s7], $0x5FFFF  }
0xac: {  	[dreg:$0x1] =	wrdreg $0xFFFFFFFF  }
0xad: {  	[dreg:$0x0] =	wrdreg $0x60  }
0xae: {  	[dreg:$0x2] =	wrdreg s24  }
0xaf: {  	[dreg:$0x3] =	wrdreg s2  }
0xb0: {  	[dreg:$0x4] =	wrdreg $0x41000  }
0xb1: {  	[dreg:$0x5] =	wrdreg $0x9  }
0xb2: {  	_ =	task.clear_ibuf [dreg:s7], $0x6FFFF;
	_ =	strace $0x9000004F  }
0xb3: {  	s29 =	simm.s32 $0x9;
	_ =	strace $0x80000051  }
0xb4: {  	_ =	swait.ge [sflag:s29], $0x1  }
0xb5: {  	[sflag:s29] =	ssyncadd.s32 $0xFFFFFFFF  }
0xb6: {  	_ =	strace $0x90000051  }
0xb7: {  	_ =	sfence  }
0xb8: {  	s30 =	sld [smem:$0x0];
	_ =	sdelay $0x2  }
0xb9: {  	s31 =	sshll.u32 s1, $0xD;
	s1 =	sshrl.u32 s1, $0x2  }
0xba: {  	s3 =	sand.u32 $0x4000, s31;
	s1 =	sadd.s32 s1, s30  }
0xbb: {  	s0 =	sor.u32 s3, s0;
	s1 =	sshll.u32 s1, $0x11  }
0xbc: {  	s0 =	sor.u32 s1, s0  }
0xbd: {  	s0 =	sadd.s32 $0x8F2B, s0  }
0xbe: {  	[sflag:s0] =	ssyncadd.remote.s32 $0x1  }
0xbf: {  	_ =	sfence.sel $0xFFFF  }
0xc0: {  	[dreg:$0x0] =	wrdreg $0xFFFFFFFF;
	(pc) =	sbr.abs _section_cstart, $3  }
0xc1: {  	[dreg:$0x1] =	wrdreg $0xFFFFFFFF  }
0xc2: {  	_ =	task.clear_ibuf [dreg:s7], $0x2FFFF;
	_ =	strace $0x9FFFFFFF  }
0xc3: {  	(tm) =	ssettm $0x7FFFFFFF  }
tec
execute0_lowered:
.L_overlay_start_1:
0x0: {  	(tag) =	ssettag $0x1  }
0x1: {  	s7 =	rddreg [dreg:$0x0]  }
0x2: {  	s8 =	rddreg [dreg:$0x1]  }
0x3: {  	s2 =	rddreg [dreg:$0x2]  }
0x4: {  	s0 =	rddreg [dreg:$0x3]  }
0x5: {  	s4 =	srdreg.scid;
	s1 =	stileid.u32  }
0x6: {  	s3 =	simm.s32 $0x0;
	s16 =	simm.s32 $0x1;
	s10 =	smul.u32 $0x14000, s1  }
0x7: {  	s17 =	simm.s32 $0x0;
	s9 =	sand.u32 $0x1, s4;
	s13 =	smul.u32 $0x50000, s1  }
0x8: {  	[smem:$0x7FF] =	sst s3;
	s4 =	sadd.s32 $0xAE200, s7;
	s14 =	smul.u32 $0x5000, s1  }
0x9: {  	s5 =	sadd.s32 $0x36200, s7;
	s31 =	sshll.u32 s1, $0x6;
	s6 =	smul.u32 $0x140000, s9  }
0xa: {  	_ =	strace $0x80000050;
	s12 =	ssub.s32 $0x2, s9;
	s9 =	smul.u32 $0x50000, s9  }
0xb: {  	s29 =	sshrl.u32 s12, $0x1;
	s30 =	sshrl.u32 s13, $0x2;
	s13 =	simm.s32 $0x2  }
0xc: {  	s6 =	sadd.s32 s10, s6;
	s12 =	ssub.s32 s12, s29;
	s10 =	sshrl.u32 s10, $0x3  }
0xd: {  	s15 =	sadd.s32 s30, s2;
	s9 =	sadd.s32 s14, s9;
	s11 =	sshrl.u32 s6, $0x3  }
0xe: {  	s14 =	simm.s32 $0x80;
	s6 =	sadd.s32 $0x4A200, s7;
	s11 =	sadd.s32 s11, s7  }
0xf: {  	s7 =	sadd.s32 s8, s10;
	s8 =	sor.u32 $0x1C02, s31;
	s10 =	sadd.s32 $0xFE200, s11  }
0x10: {  	s11 =	smax.u32 s12, $0x1;
	s12 =	sshrl.u32 s15, $0x3;
	s15 =	simm.s32 $0x100  }
.LBB2_1:
0x11: {  	[spmem:s12], [sflag:s8] =	dma.local [hbm:s7], $0x2800  }
0x12: {  	s18 =	sand.u32 $0x7C00, s3  }
0x13: {  	s19 =	sand.u32 $0x380, s3;
	_ =	swait.ge [sflag:s13], $0x2800;
	s18 =	sadd.s32 s18, s9  }
0x14: {  	[sflag:s13] =	ssyncset.done $0x0;
	s18 =	sor.u32 s19, s18  }
0x15: {  	[sflag:s13] =	ssyncadd.s32 $0xFFFFD800;
	s18 =	sshrl.u32 s18, $0x3  }
0x16: {  	[bflag:$0x0] =	sbarrier.arrive $0xFFFF;
	s29 =	sadd.s32 s5, s18  }
0x17: {  	[tilespmem:s3], [sflag:$0x2] =	stream.linear.gather [hbm4b:s29+s3], $0x80, $0x38;
	[tilespmem:$0x18100] =	vst v63  }
0x18: {  	_ =	swait.ge [sflag:s13], $0x80  }
0x19: {  	[sflag:s13] =	ssyncset.done $0x0  }
0x1a: {  	s18 =	sadd.s32 s6, s18;
	[sflag:s13] =	ssyncadd.s32 $0xFFFFFF80  }
0x1b: {  	[tilespmem:s14], [sflag:$0x2] =	stream.linear.gather [hbm4b:s18+s3], $0x80, $0x38;
	[tilespmem:$0x18100] =	vst v63  }
0x1c: {  	_ =	swait.ge [sflag:s13], $0x80  }
0x1d: {  	[sflag:s13] =	ssyncset.done $0x0  }
0x1e: {  	[sflag:s13] =	ssyncadd.s32 $0xFFFFFF80  }
0x1f: {  	[tilespmem:s15], [sflag:$0x1] =	stream.indirect.gather [hbm4b:s4+s14], $0x80, s3, s14, $0xb8;
	[tilespmem:$0x18100] =	vst v63  }
0x20: {  	_ =	swait.ge [sflag:s16], $0x4000  }
0x21: {  	s30 =	simm.s32 $0x80;
	[sflag:s16] =	ssyncset.done $0x0  }
0x22: {  	s31 =	sand.u32 $0x7C00, s30;
	[sflag:s16] =	ssyncadd.s32 $0xFFFFC000  }
0x23: {  	[spmem:s2] =	stream.indirect.scatter.add.f32 [tilespmem:s15], [sflag:$0x2], $0x80, s14, s14, $0xb8;
	[tilespmem:$0x18100] =	vst v63  }
0x24: {  	s20 =	sand.u32 $0x380, s30;
	s19 =	sadd.s32 s31, s9;
	_ =	swait.ge [sflag:s13], $0x4000  }
0x25: {  	s19 =	sor.u32 s20, s19;
	s18 =	simm.s32 $0x100;
	[sflag:s13] =	ssyncset.done $0x0  }
.LBB2_2:
0x26: {  	s19 =	sshrl.u32 s19, $0x3  }
0x27: {  	[sflag:s13] =	ssyncadd.s32 $0xFFFFC000;
	s20 =	smov.u32 s18;
	s21 =	sadd.s32 $0x80, s18  }
0x28: {  	p0 =	sne.s32 s18, $0x4E00;
	s18 =	sadd.s32 s5, s19  }
0x29: {  	[tilespmem:s3], [sflag:$0x2] =	stream.linear.gather [hbm4b:s18+s3], $0x80, $0x38;
	[tilespmem:$0x18100] =	vst v63  }
0x2a: {  	_ =	swait.ge [sflag:s13], $0x80  }
0x2b: {  	[sflag:s13] =	ssyncset.done $0x0  }
0x2c: {  	s18 =	sadd.s32 s6, s19;
	[sflag:s13] =	ssyncadd.s32 $0xFFFFFF80  }
0x2d: {  	[tilespmem:s14], [sflag:$0x2] =	stream.linear.gather [hbm4b:s18+s3], $0x80, $0x38;
	[tilespmem:$0x18100] =	vst v63  }
0x2e: {  	_ =	swait.ge [sflag:s13], $0x80  }
0x2f: {  	[sflag:s13] =	ssyncset.done $0x0  }
0x30: {  	[sflag:s13] =	ssyncadd.s32 $0xFFFFFF80  }
0x31: {  	[tilespmem:s15], [sflag:$0x1] =	stream.indirect.gather [hbm4b:s4+s14], $0x80, s3, s14, $0xb8;
	[tilespmem:$0x18100] =	vst v63  }
0x32: {  	_ =	swait.ge [sflag:s16], $0x4000  }
.Ltmp0:
0x33: {  	[sflag:s16] =	ssyncset.done $0x0;
	(pc) =	sbr.rel @p0 .LBB2_2-.Ltmp0, $4  }
0x34: {  	s18 =	sand.u32 $0x7C00, s20;
	[sflag:s16] =	ssyncadd.s32 $0xFFFFC000  }
0x35: {  	[spmem:s2] =	stream.indirect.scatter.add.f32 [tilespmem:s15], [sflag:$0x2], $0x80, s14, s14, $0xb8;
	[tilespmem:$0x18100] =	vst v63  }
0x36: {  	s19 =	sand.u32 $0x380, s20;
	s18 =	sadd.s32 s18, s9;
	_ =	swait.ge [sflag:s13], $0x4000  }
0x37: {  	s19 =	sor.u32 s19, s18;
	s18 =	smov.u32 s21;
	[sflag:s13] =	ssyncset.done $0x0  }
0x38: {  	s18 =	sshrl.u32 s19, $0x3  }
0x39: {  	[sflag:s13] =	ssyncadd.s32 $0xFFFFC000;
	s19 =	sadd.s32 s5, s18  }
0x3a: {  	[tilespmem:s3], [sflag:$0x2] =	stream.linear.gather [hbm4b:s19+s3], $0x80, $0x38;
	[tilespmem:$0x18100] =	vst v63  }
0x3b: {  	_ =	swait.ge [sflag:s13], $0x80  }
0x3c: {  	[sflag:s13] =	ssyncset.done $0x0  }
0x3d: {  	s18 =	sadd.s32 s6, s18;
	[sflag:s13] =	ssyncadd.s32 $0xFFFFFF80  }
0x3e: {  	[tilespmem:s14], [sflag:$0x2] =	stream.linear.gather [hbm4b:s18+s3], $0x80, $0x38;
	[tilespmem:$0x18100] =	vst v63  }
0x3f: {  	_ =	swait.ge [sflag:s13], $0x80  }
0x40: {  	[sflag:s13] =	ssyncset.done $0x0  }
0x41: {  	[sflag:s13] =	ssyncadd.s32 $0xFFFFFF80  }
0x42: {  	[tilespmem:s15], [sflag:$0x1] =	stream.indirect.gather [hbm4b:s4+s14], $0x80, s3, s14, $0xb8;
	[tilespmem:$0x18100] =	vst v63  }
0x43: {  	_ =	swait.ge [sflag:s16], $0x4000  }
0x44: {  	[sflag:s16] =	ssyncset.done $0x0  }
0x45: {  	[sflag:s16] =	ssyncadd.s32 $0xFFFFC000  }
0x46: {  	[spmem:s2] =	stream.indirect.scatter.add.f32 [tilespmem:s15], [sflag:$0x2], $0x80, s14, s14, $0xb8;
	[tilespmem:$0x18100] =	vst v63  }
0x47: {  	_ =	swait.ge [sflag:s13], $0x4000  }
0x48: {  	s17 =	sadd.s32 $0x1, s17;
	[sflag:s13] =	ssyncset.done $0x0  }
0x49: {  	p0 =	sne.s32 s17, s11;
	[sflag:s13] =	ssyncadd.s32 $0xFFFFC000  }
.Ltmp1:
0x4a: {  	[bflag:$0x0] =	sbarrier.arrive $0xFFFF;
	(pc) =	sbr.rel @p0 .LBB2_1-.Ltmp1, $4  }
0x4b: {  	[hbm:s10], [sflag:s8] =	dma.local [spmem:s12], $0x2800  }
0x4c: {  	_ =	swait.ge [sflag:s13], $0x2800  }
0x4d: {  	[sflag:s13] =	ssyncset.done $0x0  }
0x4e: {  	[sflag:s13] =	ssyncadd.s32 $0xFFFFD800  }
0x4f: {  	_ =	sfence.sel $0x180000  }
0x50: {  	[bflag:$0x0] =	sbarrier.arrive $0xFFFF  }
0x51: {  	p0 =	sne.s32 s1, $0x0;
	_ =	strace $0x90000050  }
0x52: {  	s0 =	sadd.s32 @!p0 $0x100000, s0;
	[bflag:$0x2] =	sbarrier.arrive $0xFFFF  }
0x53: {  	[sflag:s0] =	ssyncadd.tile.s32 @!p0 $0x1;
	_ =	shalt  }
.Lfunc_end2:
_tile_overlayer_lowered:
.L_overlay_start_2:
0x54: {  	(tag) =	ssettag $0x2  }
0x55: {  	s0 =	rddreg [dreg:$0x0];
	s2 =	stileid.u32  }
0x56: {  	s1 =	rddreg [dreg:$0x1];
	p0 =	sne.s32 s2, $0x0  }
0x57: {  	s3 =	rddreg [dreg:$0x2];
	[bflag:$0x3] =	sbarrier.arrive $0xFFFF;
	s2 =	simm.s32 @!p0 $0x1C02  }
0x58: {  	[timem:s3], [sflag:s2] =	dma.local @!p0 [hbm:s0], s1  }
0x59: {  	s0 =	simm.s32 @!p0 $0x2  }
0x5a: {  	_ =	swait.ge @!p0 [sflag:s0], s1  }
0x5b: {  	s1 =	ssub.s32 @!p0 $0x0, s1;
	[sflag:s0] =	ssyncset.done @!p0 $0x0  }
0x5c: {  	[sflag:s0] =	ssyncadd.s32 @!p0 s1  }
0x5d: {  	[bflag:$0x3] =	sbarrier.arrive $0xFFFF  }
0x5e: {  	_ =	shalt  }

// kernel: kernel.24.cloned.1.call-start
scs
__scs_entry_jumppad:
0x0: {  	(pc) =	sbr.rel $0x88, $3  }
0x1: {  	(tag) =	ssettag $0x0;
	lr =	simm.s32 $0x1  }
0x2: {  	[smem:$0x3F96] =	sst lr;
	_ =	strace $0xD0000000  }
0x3: {  	_ = 	snop  }
0x4: {  	_ = 	snop  }
0x5: {  	_ = 	snop  }
0x6: {  	_ = 	snop  }
0x7: {  	_ = 	snop  }
__scs_overlays_trampoline_lowered:
0x8: {  	[smem:$0x3FA5] =	sst s0  }
0x9: {  	[smem:$0x3FA6] =	sst s1  }
0xa: {  	[smem:$0x3FA7] =	sst s2  }
0xb: {  	[smem:$0x3FA8] =	sst s3  }
0xc: {  	[smem:$0x3FA9] =	sst s4  }
0xd: {  	[smem:$0x3FAA] =	sst s5  }
0xe: {  	[smem:$0x3FAB] =	sst s6  }
0xf: {  	[smem:$0x3FAC] =	sst s7  }
0x10: {  	[smem:$0x3FAD] =	sst s8  }
0x11: {  	[smem:$0x3FAE] =	sst s9;
	s0 =	simm.s32 @!p0 $0x0  }
0x12: {  	s1 =	sld [smem:$0x3F94];
	s0 =	simm.s32 @p0 $0x1  }
0x13: {  	[smem:$0x3FAF] =	sst s0;
	s0 =	simm.s32 @!p1 $0x0  }
0x14: {  	s2 =	sld [smem:$0x3F93];
	s0 =	simm.s32 @p1 $0x1  }
0x15: {  	[smem:$0x3FB0] =	sst s0;
	s0 =	simm.s32 @!p2 $0x0  }
0x16: {  	s3 =	sld [smem:$0x3FDB];
	s0 =	simm.s32 @p2 $0x1  }
0x17: {  	s4 =	simm.s32 $0x1BF5;
	[smem:$0x3FB2] =	sst s0  }
0x18: {  	s0 =	sld [smem:$0x3F95];
	_ =	swait.ge [sflag:s4], $0x0  }
0x19: {  	s7 =	sld [smem:$0x3F96]  }
0x1a: {  	s8 =	sadd.s32 $0xFFFFE003, lr  }
0x1b: {  	s9 =	sadd.s32 $0xFFFFFEF7, lr;
	s5 =	simm.s32 $0xFFFFFFFF;
	p2 =	slt.u32 s8, $0xFFFFF086  }
0x1c: {  	p1 =	slt.u32 s9, $0xF7A;
	s5 =	simm.s32 @!p2 $0x0  }
0x1d: {  	s5 =	simm.s32 @p1 $0x1;
	p0 =	seq.s32 s7, s2  }
0x1e: {  	s7 =	smul.u32 @!p0 $0xF7A, s2;
	p2 =	seq.s32 @!p0 s5, $0x0  }
0x1f: {  	s9 =	smul.u32 $0xF7A, s1;
	s8 =	simm.s32 @!p0 $0x1BF5;
	p2 =	por !p2, p0  }
0x20: {  	[sflag:s8] =	ssyncset.s32 @!p0 $0xFFFFF086;
	s6 =	sadd.s32 @!p0 s3, s7;
	s7 =	simm.s32 @!p0 $0x108  }
0x21: {  	s3 =	sadd.s32 s3, s9;
	s6 =	sadd.s32 @!p0 $0x88, s6;
	s7 =	simm.s32 @p2 $0x1082  }
0x22: {  	[simem:s7], [sflag:s8] =	dma.local @!p0 [hbm:s6], $0xF7A  }
0x23: {  	s9 =	sor.u32 $0xD0000000, s2;
	s6 =	simm.s32 $0x108;
	_ =	swait.ge @!p0 [sflag:s8], $0x0  }
0x24: {  	s3 =	sadd.s32 $0x88, s3;
	s6 =	simm.s32 @!p1 $0x1082;
	[sflag:s4] =	ssyncset.s32 $0xFFFFF086  }
0x25: {  	[simem:s6], [sflag:s4] =	dma.local [hbm:s3], $0xF7A  }
0x26: {  	[smem:$0x3F96] =	sst s1;
	(tag) =	ssettag s2;
	_ =	strace s9  }
0x27: {  	s1 =	sld [smem:$0x3FA6]  }
0x28: {  	s2 =	sld [smem:$0x3FA7]  }
0x29: {  	s4 =	sld [smem:$0x3FA9]  }
0x2a: {  	p0 =	seq.s32 s5, $0x0;
	s5 =	sld [smem:$0x3FAA]  }
0x2b: {  	s6 =	sld [smem:$0x3FAB]  }
0x2c: {  	s7 =	sld [smem:$0x3FAC]  }
0x2d: {  	s3 =	simm.s32 $0x108;
	s8 =	sld [smem:$0x3FAD]  }
0x2e: {  	s3 =	simm.s32 @!p0 $0x1082;
	s9 =	sld [smem:$0x3FAE]  }
0x2f: {  	lr =	sadd.s32 s0, s3;
	s0 =	sld [smem:$0x3FA5]  }
0x30: {  	s3 =	sld [smem:$0x3FA8]  }
0x31: {  	[smem:$0x3FB1] =	sst s10  }
0x32: {  	s10 =	sld [smem:$0x3FAF];
	_ =	sdelay $0x3  }
0x33: {  	p0 =	seq.s32 s10, $0x1;
	s10 =	sld [smem:$0x3FB1];
	_ =	sdelay $0x3  }
0x34: {  	[smem:$0x3FB1] =	sst s10  }
0x35: {  	s10 =	sld [smem:$0x3FB0];
	_ =	sdelay $0x3  }
0x36: {  	p1 =	seq.s32 s10, $0x1;
	s10 =	sld [smem:$0x3FB1];
	_ =	sdelay $0x3  }
0x37: {  	[smem:$0x3FB1] =	sst s10  }
0x38: {  	s10 =	sld [smem:$0x3FB2]  }
0x39: {  	_ = 	snop;
	(pc) =	sbr.ind lr, $3  }
0x3a: {  	_ = 	snop  }
0x3b: {  	_ = 	snop  }
0x3c: {  	p2 =	seq.s32 s10, $0x1;
	s10 =	sld [smem:$0x3FB1]  }
0x3d: {  	_ =	shalt  }
0x3e: {  	_ =	shalt  }
0x3f: {  	_ =	shalt  }
0x40: {  	_ =	shalt  }
0x41: {  	_ =	shalt  }
0x42: {  	_ =	shalt  }
0x43: {  	_ =	shalt  }
0x44: {  	_ =	shalt  }
0x45: {  	_ =	shalt  }
0x46: {  	_ =	shalt  }
0x47: {  	_ =	shalt  }
0x48: {  	_ =	shalt  }
0x49: {  	_ =	shalt  }
0x4a: {  	_ =	shalt  }
0x4b: {  	_ =	shalt  }
0x4c: {  	_ =	shalt  }
0x4d: {  	_ =	shalt  }
0x4e: {  	_ =	shalt  }
0x4f: {  	_ =	shalt  }
0x50: {  	_ =	shalt  }
0x51: {  	_ =	shalt  }
0x52: {  	_ =	shalt  }
0x53: {  	_ =	shalt  }
0x54: {  	_ =	shalt  }
0x55: {  	_ =	shalt  }
0x56: {  	_ =	shalt  }
0x57: {  	_ =	shalt  }
0x58: {  	_ =	shalt  }
0x59: {  	_ =	shalt  }
0x5a: {  	_ =	shalt  }
0x5b: {  	_ =	shalt  }
0x5c: {  	_ =	shalt  }
0x5d: {  	_ =	shalt  }
0x5e: {  	_ =	shalt  }
0x5f: {  	_ =	shalt  }
0x60: {  	_ =	shalt  }
0x61: {  	_ =	shalt  }
0x62: {  	_ =	shalt  }
0x63: {  	_ =	shalt  }
0x64: {  	_ =	shalt  }
0x65: {  	_ =	shalt  }
0x66: {  	_ =	shalt  }
0x67: {  	_ =	shalt  }
0x68: {  	_ =	shalt  }
0x69: {  	_ =	shalt  }
0x6a: {  	_ =	shalt  }
0x6b: {  	_ =	shalt  }
0x6c: {  	_ =	shalt  }
0x6d: {  	_ =	shalt  }
0x6e: {  	_ =	shalt  }
0x6f: {  	_ =	shalt  }
0x70: {  	_ =	shalt  }
0x71: {  	_ =	shalt  }
0x72: {  	_ =	shalt  }
0x73: {  	_ =	shalt  }
0x74: {  	_ =	shalt  }
0x75: {  	_ =	shalt  }
0x76: {  	_ =	shalt  }
0x77: {  	_ =	shalt  }
0x78: {  	_ =	shalt  }
0x79: {  	_ =	shalt  }
0x7a: {  	_ =	shalt  }
0x7b: {  	_ =	shalt  }
0x7c: {  	_ =	shalt  }
0x7d: {  	_ =	shalt  }
0x7e: {  	_ =	shalt  }
0x7f: {  	_ =	shalt  }
0x80: {  	_ =	shalt  }
0x81: {  	_ =	shalt  }
0x82: {  	_ =	shalt  }
0x83: {  	_ =	shalt  }
0x84: {  	_ =	shalt  }
0x85: {  	_ =	shalt  }
0x86: {  	_ =	shalt  }
0x87: {  	_ =	shalt  }
.Lfunc_end0:
.L_simem_size_0:
called_computation.4_lowered:
.L_overlay_start_0:
0x88: {  	s2 =	sld [smem:$0x3FD9]  }
0x89: {  	s3 =	sld [smem:$0x3FFE];
	_ =	sdelay $0x1  }
0x8a: {  	s1 =	srdreg.scid  }
0x8b: {  	s0 =	sand.u32 $0x1, s1  }
0x8c: {  	s17 =	sshll.u32 s0, $0xA;
	s2 =	sadd.s32 s3, s2  }
0x8d: {  	s2 =	sadd.s32 s2, s17  }
0x8e: {  	[smem:$0x3FBD] =	sst s2  }
0x8f: {  	_ = 	snop  }
0x90: {  	s2 =	sld [smem:$0x3FD0];
	(tm) =	ssettm $0x1  }
0x91: {  	s18 =	sld [smem:$0x3FFB];
	_ =	sdelay $0x3  }
0x92: {  	_ =	strace s18  }
0x93: {  	s3 =	sld [smem:$0x3FFC];
	_ =	sdelay $0x3  }
0x94: {  	_ =	strace s3  }
0x95: {  	s3 =	sld [smem:$0x3FFD];
	_ =	sdelay $0x3  }
0x96: {  	_ =	strace s3  }
0x97: {  	_ =	strace $0x8FFFFFFF  }
0x98: {  	s19 =	sld [smem:$0x3FDB];
	_ =	sdelay $0x1  }
0x99: {  	s4 =	simm.s32 $_scs_section_size  }
0x9a: {  	s5 =	simm.s32 $_size__tile_overlayer_lowered;
	s6 =	simm.s32 $_tile_overlayer_lowered  }
0x9b: {  	s22 =	simm.s32 $0x1BFF;
	s21 =	sshll.u32 s6, $0x1;
	s3 =	sadd.s32 s4, s19  }
0x9c: {  	s7 =	simm.s32 $0x0;
	s20 =	sshll.u32 s5, $0x1;
	s5 =	sadd.s32 s21, s3  }
0x9d: {  	[timem:s7], [sflag:s22] =	dma.local [hbm:s5], s20  }
0x9e: {  	_ =	swait.ge [sflag:s22], s20  }
0x9f: {  	s4 =	ssub.s32 $0x0, s20;
	[sflag:s22] =	ssyncset.done $0x0  }
0xa0: {  	[sflag:s22] =	ssyncadd.s32 s4;
	_ =	sdelay $0x1  }
0xa1: {  	s23 =	simm.s32 $0x1B8B  }
0xa2: {  	_ =	swait.ge [sflag:s23], $0x1  }
0xa3: {  	[sflag:s23] =	ssyncset.done $0x0  }
0xa4: {  	s25 =	simm.s32 $0x1B8E;
	s24 =	sld [smem:$0x3FFE];
	[sflag:s23] =	ssyncadd.s32 $0xFFFFFFFF  }
0xa5: {  	s26 =	simm.s32 $execute0_lowered;
	[smem:$0x3FD2] =	sst s25  }
0xa6: {  	s5 =	sshll.u32 s26, $0x1;
	_ =	strace $0x80000052;
	[dreg:$0x1] =	wrdreg $0xFFFFFFFF  }
0xa7: {  	s28 =	simm.s32 $_size_execute0_lowered;
	s3 =	sadd.s32 s3, s5;
	[dreg:$0x0] =	wrdreg $0x0  }
0xa8: {  	s5 =	sshll.u32 s28, $0x1;
	[dreg:$0x2] =	wrdreg s3  }
0xa9: {  	[dreg:$0x3] =	wrdreg s5  }
0xaa: {  	[dreg:$0x4] =	wrdreg $0xC0  }
0xab: {  	_ =	task [dreg:s7], $0x5FFFF  }
0xac: {  	[dreg:$0x1] =	wrdreg $0xFFFFFFFF  }
0xad: {  	[dreg:$0x0] =	wrdreg $0x60  }
0xae: {  	[dreg:$0x2] =	wrdreg s24  }
0xaf: {  	[dreg:$0x3] =	wrdreg s2  }
0xb0: {  	[dreg:$0x4] =	wrdreg $0x41000  }
0xb1: {  	[dreg:$0x5] =	wrdreg $0x9  }
0xb2: {  	_ =	task.clear_ibuf [dreg:s7], $0x6FFFF;
	_ =	strace $0x90000052  }
0xb3: {  	s29 =	simm.s32 $0x9;
	_ =	strace $0x80000054  }
0xb4: {  	_ =	swait.ge [sflag:s29], $0x1  }
0xb5: {  	[sflag:s29] =	ssyncadd.s32 $0xFFFFFFFF  }
0xb6: {  	_ =	strace $0x90000054  }
0xb7: {  	_ =	sfence  }
0xb8: {  	s30 =	sld [smem:$0x0];
	_ =	sdelay $0x2  }
0xb9: {  	s31 =	sshll.u32 s1, $0xD;
	s1 =	sshrl.u32 s1, $0x2  }
0xba: {  	s3 =	sand.u32 $0x4000, s31;
	s1 =	sadd.s32 s1, s30  }
0xbb: {  	s0 =	sor.u32 s3, s0;
	s1 =	sshll.u32 s1, $0x11  }
0xbc: {  	s0 =	sor.u32 s1, s0  }
0xbd: {  	s0 =	sadd.s32 $0x8F2B, s0  }
0xbe: {  	[sflag:s0] =	ssyncadd.remote.s32 $0x1  }
0xbf: {  	_ =	sfence.sel $0xFFFF  }
0xc0: {  	[dreg:$0x0] =	wrdreg $0xFFFFFFFF;
	(pc) =	sbr.abs _section_cstart, $3  }
0xc1: {  	[dreg:$0x1] =	wrdreg $0xFFFFFFFF  }
0xc2: {  	_ =	task.clear_ibuf [dreg:s7], $0x2FFFF;
	_ =	strace $0x9FFFFFFF  }
0xc3: {  	(tm) =	ssettm $0x7FFFFFFF  }
tec
execute0_lowered:
.L_overlay_start_1:
0x0: {  	(tag) =	ssettag $0x1  }
0x1: {  	s7 =	rddreg [dreg:$0x0]  }
0x2: {  	s8 =	rddreg [dreg:$0x1]  }
0x3: {  	s2 =	rddreg [dreg:$0x2]  }
0x4: {  	s0 =	rddreg [dreg:$0x3]  }
0x5: {  	s4 =	srdreg.scid;
	s1 =	stileid.u32  }
0x6: {  	s3 =	simm.s32 $0x0;
	s16 =	simm.s32 $0x1;
	s10 =	smul.u32 $0x14000, s1  }
0x7: {  	s17 =	simm.s32 $0x0;
	s9 =	sand.u32 $0x1, s4;
	s13 =	smul.u32 $0x50000, s1  }
0x8: {  	[smem:$0x7FF] =	sst s3;
	s4 =	sadd.s32 $0xAE200, s7;
	s14 =	smul.u32 $0x5000, s1  }
0x9: {  	s5 =	sadd.s32 $0x36200, s7;
	s31 =	sshll.u32 s1, $0x6;
	s6 =	smul.u32 $0x140000, s9  }
0xa: {  	_ =	strace $0x80000053;
	s12 =	ssub.s32 $0x2, s9;
	s9 =	smul.u32 $0x50000, s9  }
0xb: {  	s29 =	sshrl.u32 s12, $0x1;
	s30 =	sshrl.u32 s13, $0x2;
	s13 =	simm.s32 $0x2  }
0xc: {  	s6 =	sadd.s32 s10, s6;
	s12 =	ssub.s32 s12, s29;
	s10 =	sshrl.u32 s10, $0x3  }
0xd: {  	s15 =	sadd.s32 s30, s2;
	s9 =	sadd.s32 s14, s9;
	s11 =	sshrl.u32 s6, $0x3  }
0xe: {  	s14 =	simm.s32 $0x80;
	s6 =	sadd.s32 $0x4A200, s7;
	s11 =	sadd.s32 s11, s7  }
0xf: {  	s7 =	sadd.s32 s8, s10;
	s8 =	sor.u32 $0x1C02, s31;
	s10 =	sadd.s32 $0xFE200, s11  }
0x10: {  	s11 =	smax.u32 s12, $0x1;
	s12 =	sshrl.u32 s15, $0x3;
	s15 =	simm.s32 $0x100  }
.LBB2_1:
0x11: {  	[spmem:s12], [sflag:s8] =	dma.local [hbm:s7], $0x2800  }
0x12: {  	s18 =	sand.u32 $0x7C00, s3  }
0x13: {  	s19 =	sand.u32 $0x380, s3;
	_ =	swait.ge [sflag:s13], $0x2800;
	s18 =	sadd.s32 s18, s9  }
0x14: {  	[sflag:s13] =	ssyncset.done $0x0;
	s18 =	sor.u32 s19, s18  }
0x15: {  	[sflag:s13] =	ssyncadd.s32 $0xFFFFD800;
	s18 =	sshrl.u32 s18, $0x3  }
0x16: {  	[bflag:$0x0] =	sbarrier.arrive $0xFFFF;
	s29 =	sadd.s32 s5, s18  }
0x17: {  	[tilespmem:s3], [sflag:$0x2] =	stream.linear.gather [hbm4b:s29+s3], $0x80, $0x38;
	[tilespmem:$0x18100] =	vst v63  }
0x18: {  	_ =	swait.ge [sflag:s13], $0x80  }
0x19: {  	[sflag:s13] =	ssyncset.done $0x0  }
0x1a: {  	s18 =	sadd.s32 s6, s18;
	[sflag:s13] =	ssyncadd.s32 $0xFFFFFF80  }
0x1b: {  	[tilespmem:s14], [sflag:$0x2] =	stream.linear.gather [hbm4b:s18+s3], $0x80, $0x38;
	[tilespmem:$0x18100] =	vst v63  }
0x1c: {  	_ =	swait.ge [sflag:s13], $0x80  }
0x1d: {  	[sflag:s13] =	ssyncset.done $0x0  }
0x1e: {  	[sflag:s13] =	ssyncadd.s32 $0xFFFFFF80  }
0x1f: {  	[tilespmem:s15], [sflag:$0x1] =	stream.indirect.gather [hbm4b:s4+s14], $0x80, s3, s14, $0xb8;
	[tilespmem:$0x18100] =	vst v63  }
0x20: {  	_ =	swait.ge [sflag:s16], $0x4000  }
0x21: {  	s30 =	simm.s32 $0x80;
	[sflag:s16] =	ssyncset.done $0x0  }
0x22: {  	s31 =	sand.u32 $0x7C00, s30;
	[sflag:s16] =	ssyncadd.s32 $0xFFFFC000  }
0x23: {  	[spmem:s2] =	stream.indirect.scatter.add.f32 [tilespmem:s15], [sflag:$0x2], $0x80, s14, s14, $0xb8;
	[tilespmem:$0x18100] =	vst v63  }
0x24: {  	s20 =	sand.u32 $0x380, s30;
	s19 =	sadd.s32 s31, s9;
	_ =	swait.ge [sflag:s13], $0x4000  }
0x25: {  	s19 =	sor.u32 s20, s19;
	s18 =	simm.s32 $0x100;
	[sflag:s13] =	ssyncset.done $0x0  }
.LBB2_2:
0x26: {  	s19 =	sshrl.u32 s19, $0x3  }
0x27: {  	[sflag:s13] =	ssyncadd.s32 $0xFFFFC000;
	s20 =	smov.u32 s18;
	s21 =	sadd.s32 $0x80, s18  }
0x28: {  	p0 =	sne.s32 s18, $0x4E00;
	s18 =	sadd.s32 s5, s19  }
0x29: {  	[tilespmem:s3], [sflag:$0x2] =	stream.linear.gather [hbm4b:s18+s3], $0x80, $0x38;
	[tilespmem:$0x18100] =	vst v63  }
0x2a: {  	_ =	swait.ge [sflag:s13], $0x80  }
0x2b: {  	[sflag:s13] =	ssyncset.done $0x0  }
0x2c: {  	s18 =	sadd.s32 s6, s19;
	[sflag:s13] =	ssyncadd.s32 $0xFFFFFF80  }
0x2d: {  	[tilespmem:s14], [sflag:$0x2] =	stream.linear.gather [hbm4b:s18+s3], $0x80, $0x38;
	[tilespmem:$0x18100] =	vst v63  }
0x2e: {  	_ =	swait.ge [sflag:s13], $0x80  }
0x2f: {  	[sflag:s13] =	ssyncset.done $0x0  }
0x30: {  	[sflag:s13] =	ssyncadd.s32 $0xFFFFFF80  }
0x31: {  	[tilespmem:s15], [sflag:$0x1] =	stream.indirect.gather [hbm4b:s4+s14], $0x80, s3, s14, $0xb8;
	[tilespmem:$0x18100] =	vst v63  }
0x32: {  	_ =	swait.ge [sflag:s16], $0x4000  }
.Ltmp0:
0x33: {  	[sflag:s16] =	ssyncset.done $0x0;
	(pc) =	sbr.rel @p0 .LBB2_2-.Ltmp0, $4  }
0x34: {  	s18 =	sand.u32 $0x7C00, s20;
	[sflag:s16] =	ssyncadd.s32 $0xFFFFC000  }
0x35: {  	[spmem:s2] =	stream.indirect.scatter.add.f32 [tilespmem:s15], [sflag:$0x2], $0x80, s14, s14, $0xb8;
	[tilespmem:$0x18100] =	vst v63  }
0x36: {  	s19 =	sand.u32 $0x380, s20;
	s18 =	sadd.s32 s18, s9;
	_ =	swait.ge [sflag:s13], $0x4000  }
0x37: {  	s19 =	sor.u32 s19, s18;
	s18 =	smov.u32 s21;
	[sflag:s13] =	ssyncset.done $0x0  }
0x38: {  	s18 =	sshrl.u32 s19, $0x3  }
0x39: {  	[sflag:s13] =	ssyncadd.s32 $0xFFFFC000;
	s19 =	sadd.s32 s5, s18  }
0x3a: {  	[tilespmem:s3], [sflag:$0x2] =	stream.linear.gather [hbm4b:s19+s3], $0x80, $0x38;
	[tilespmem:$0x18100] =	vst v63  }
0x3b: {  	_ =	swait.ge [sflag:s13], $0x80  }
0x3c: {  	[sflag:s13] =	ssyncset.done $0x0  }
0x3d: {  	s18 =	sadd.s32 s6, s18;
	[sflag:s13] =	ssyncadd.s32 $0xFFFFFF80  }
0x3e: {  	[tilespmem:s14], [sflag:$0x2] =	stream.linear.gather [hbm4b:s18+s3], $0x80, $0x38;
	[tilespmem:$0x18100] =	vst v63  }
0x3f: {  	_ =	swait.ge [sflag:s13], $0x80  }
0x40: {  	[sflag:s13] =	ssyncset.done $0x0  }
0x41: {  	[sflag:s13] =	ssyncadd.s32 $0xFFFFFF80  }
0x42: {  	[tilespmem:s15], [sflag:$0x1] =	stream.indirect.gather [hbm4b:s4+s14], $0x80, s3, s14, $0xb8;
	[tilespmem:$0x18100] =	vst v63  }
0x43: {  	_ =	swait.ge [sflag:s16], $0x4000  }
0x44: {  	[sflag:s16] =	ssyncset.done $0x0  }
0x45: {  	[sflag:s16] =	ssyncadd.s32 $0xFFFFC000  }
0x46: {  	[spmem:s2] =	stream.indirect.scatter.add.f32 [tilespmem:s15], [sflag:$0x2], $0x80, s14, s14, $0xb8;
	[tilespmem:$0x18100] =	vst v63  }
0x47: {  	_ =	swait.ge [sflag:s13], $0x4000  }
0x48: {  	s17 =	sadd.s32 $0x1, s17;
	[sflag:s13] =	ssyncset.done $0x0  }
0x49: {  	p0 =	sne.s32 s17, s11;
	[sflag:s13] =	ssyncadd.s32 $0xFFFFC000  }
.Ltmp1:
0x4a: {  	[bflag:$0x0] =	sbarrier.arrive $0xFFFF;
	(pc) =	sbr.rel @p0 .LBB2_1-.Ltmp1, $4  }
0x4b: {  	[hbm:s10], [sflag:s8] =	dma.local [spmem:s12], $0x2800  }
0x4c: {  	_ =	swait.ge [sflag:s13], $0x2800  }
0x4d: {  	[sflag:s13] =	ssyncset.done $0x0  }
0x4e: {  	[sflag:s13] =	ssyncadd.s32 $0xFFFFD800  }
0x4f: {  	_ =	sfence.sel $0x180000  }
0x50: {  	[bflag:$0x0] =	sbarrier.arrive $0xFFFF  }
0x51: {  	p0 =	sne.s32 s1, $0x0;
	_ =	strace $0x90000053  }
0x52: {  	s0 =	sadd.s32 @!p0 $0x100000, s0;
	[bflag:$0x2] =	sbarrier.arrive $0xFFFF  }
0x53: {  	[sflag:s0] =	ssyncadd.tile.s32 @!p0 $0x1;
	_ =	shalt  }
.Lfunc_end2:
_tile_overlayer_lowered:
.L_overlay_start_2:
0x54: {  	(tag) =	ssettag $0x2  }
0x55: {  	s0 =	rddreg [dreg:$0x0];
	s2 =	stileid.u32  }
0x56: {  	s1 =	rddreg [dreg:$0x1];
	p0 =	sne.s32 s2, $0x0  }
0x57: {  	s3 =	rddreg [dreg:$0x2];
	[bflag:$0x3] =	sbarrier.arrive $0xFFFF;
	s2 =	simm.s32 @!p0 $0x1C02  }
0x58: {  	[timem:s3], [sflag:s2] =	dma.local @!p0 [hbm:s0], s1  }
0x59: {  	s0 =	simm.s32 @!p0 $0x2  }
0x5a: {  	_ =	swait.ge @!p0 [sflag:s0], s1  }
0x5b: {  	s1 =	ssub.s32 @!p0 $0x0, s1;
	[sflag:s0] =	ssyncset.done @!p0 $0x0  }
0x5c: {  	[sflag:s0] =	ssyncadd.s32 @!p0 s1  }
0x5d: {  	[bflag:$0x3] =	sbarrier.arrive $0xFFFF  }
0x5e: {  	_ =	shalt  }

</sc_bundles>
